<compile_context>
chip_gen: v7x
topology: tpu7x:2x2x1
jax: 0.10.2.dev20260603
libtpu: 0.0.44.dev20260713+nightly
codegen_flags: <defaults>
</compile_context>

<pallas_src>
import functools

import jax
import jax.numpy as jnp
from jax import lax
from jax.experimental import pallas as pl
from jax.experimental.pallas import tpu as pltpu
from jax.experimental.pallas import tpu_sc as plsc

N = 10000
NP = 10240
E = 320000
F = 16
G = 128
NT = 32
GP = (E + NT * G - 1) // (NT * G)
EP = NT * G * GP
ROWS_PER_TILE = NP // 16

_MESH = dict(core_axis_name="c", subcore_axis_name="s")



@functools.partial(
    pl.kernel,
    mesh=plsc.VectorSubcoreMesh(**_MESH),
    out_type=jax.ShapeDtypeStruct((2, NP), jnp.float32),
    scratch_types=[
        pltpu.VMEM_SHARED((NP,), jnp.float32),
        pltpu.VMEM((GP, G), jnp.int32),
        pltpu.VMEM((GP, G), jnp.float32),
    ],
)
def _sc_degree(colp, ewp, zn, deg_out, acc_s, col_v, ew_v):
    cid = lax.axis_index("c")
    sid = lax.axis_index("s")
    g = cid * 16 + sid

    @pl.when(sid == 0)
    def _init():
        pltpu.sync_copy(zn, acc_s)

    plsc.subcore_barrier()

    pltpu.sync_copy(colp.at[g], col_v)
    pltpu.sync_copy(ewp.at[g], ew_v)

    def body(j, carry):
        pltpu.sync_copy(ew_v.at[j], acc_s.at[col_v.at[j]], add=True)
        return carry

    lax.fori_loop(0, GP, body, 0)
    plsc.subcore_barrier()

    @pl.when(sid == 0)
    def _readout():
        pltpu.sync_copy(acc_s, deg_out.at[cid])


@functools.partial(
    pl.kernel,
    mesh=plsc.VectorSubcoreMesh(**_MESH),
    compiler_params=pltpu.CompilerParams(use_tc_tiling_on_sc=False),
    out_type=jax.ShapeDtypeStruct((2, 16, ROWS_PER_TILE, F), jnp.float32),
    scratch_types=[
        pltpu.VMEM_SHARED((NP, F), jnp.float32),
        pltpu.VMEM((GP, G), jnp.int32),
        pltpu.VMEM((GP, G), jnp.int32),
        pltpu.VMEM((GP, G), jnp.float32),
        pltpu.VMEM((G, F), jnp.float32),
        pltpu.SemaphoreType.DMA,
    ],
)
def _sc_aggregate(rowp, colp, ewp, y_hbm, znf, acc_out,
                  acc_s, row_v, col_v, ew_v, msg_v, sem):
    cid = lax.axis_index("c")
    sid = lax.axis_index("s")
    g = cid * 16 + sid
    ns = pl.ds(pl.multiple_of(sid * ROWS_PER_TILE, 8), ROWS_PER_TILE)

    pltpu.sync_copy(znf.at[sid], acc_s.at[ns])
    plsc.subcore_barrier()

    pltpu.sync_copy(rowp.at[g], row_v)
    pltpu.sync_copy(colp.at[g], col_v)
    pltpu.sync_copy(ewp.at[g], ew_v)

    def group(j, carry):
        pltpu.async_copy(y_hbm.at[row_v.at[j]], msg_v, sem).wait()

        def scale(sg, c2):
            e0 = sg * 16
            ew16 = ew_v[j, pl.ds(e0, 16)]
            for k in range(16):
                msg_v[e0 + k, :] = msg_v[e0 + k, :] * ew16[k]
            return c2

        lax.fori_loop(0, G // 16, scale, 0)
        pltpu.sync_copy(msg_v, acc_s.at[col_v.at[j]], add=True)
        return carry

    lax.fori_loop(0, GP, group, 0)
    plsc.subcore_barrier()

    pltpu.sync_copy(acc_s.at[ns], acc_out.at[cid, sid])



def _mm_body(x_ref, w_ref, o_ref):
    o_ref[...] = jnp.dot(x_ref[...], w_ref[...],
                         preferred_element_type=jnp.float32)


def _tc_matmul(x, w):
    return pl.pallas_call(
        _mm_body,
        out_shape=jax.ShapeDtypeStruct((x.shape[0], w.shape[1]), jnp.float32),
    )(x, w)


def _norm_body(dega_ref, degb_ref, xw_ref, dis_ref, y_ref, self_ref):
    deg = dega_ref[...] + degb_ref[...] + 1.0
    dis = 1.0 / jnp.sqrt(deg)
    y = dis * xw_ref[...]
    dis_ref[...] = dis
    y_ref[...] = y
    self_ref[...] = dis * y


def _tc_norm(dega, degb, xw):
    return pl.pallas_call(
        _norm_body,
        out_shape=[
            jax.ShapeDtypeStruct((N, 1), jnp.float32),
            jax.ShapeDtypeStruct((N, F), jnp.float32),
            jax.ShapeDtypeStruct((N, F), jnp.float32),
        ],
    )(dega, degb, xw)


def _mid_body(acca_ref, accb_ref, self_ref, dis_ref, b_ref, w_ref,
              y2_ref, self2_ref):
    h = dis_ref[...] * (acca_ref[...] + accb_ref[...]) \
        + self_ref[...] + b_ref[...]
    h = jnp.maximum(h, 0.0)
    xw2 = jnp.dot(h, w_ref[...], preferred_element_type=jnp.float32)
    y2 = dis_ref[...] * xw2
    y2_ref[...] = y2
    self2_ref[...] = dis_ref[...] * y2


def _tc_mid(acca, accb, self1, dis, b1, w2p):
    return pl.pallas_call(
        _mid_body,
        out_shape=[
            jax.ShapeDtypeStruct((N, F), jnp.float32),
            jax.ShapeDtypeStruct((N, F), jnp.float32),
        ],
    )(acca, accb, self1, dis, b1, w2p)


def _post_body(acca_ref, accb_ref, self2_ref, dis_ref, b2_ref, w3_ref,
               b3_ref, out_ref, x2_ref):
    x2 = dis_ref[...] * (acca_ref[...] + accb_ref[...]) \
        + self2_ref[...] + b2_ref[...]
    r = jnp.maximum(x2, 0.0)
    z = jnp.sum(r * w3_ref[...], axis=1, keepdims=True) + b3_ref[...]
    out_ref[...] = jax.nn.sigmoid(z)
    x2_ref[...] = x2


def _tc_post(acca, accb, self2, dis, b2p, w3row, b3):
    return pl.pallas_call(
        _post_body,
        out_shape=[
            jax.ShapeDtypeStruct((N, 1), jnp.float32),
            jax.ShapeDtypeStruct((N, F), jnp.float32),
        ],
    )(acca, accb, self2, dis, b2p, w3row, b3)



def _pad_edges(v, fill):
    return jnp.concatenate(
        [v, jnp.full((EP - E,), fill, v.dtype)]).reshape(NT, GP, G)


def kernel(x, edge_index, edge_attr, W1, b1, W2, b2, W3, b3):
    row = edge_index[0].astype(jnp.int32)
    col = edge_index[1].astype(jnp.int32)
    rowp = _pad_edges(row, 0)
    colp = _pad_edges(col, 0)
    ewp = _pad_edges(edge_attr, 0.0)

    zn = jnp.zeros((NP,), jnp.float32)
    znf = jnp.zeros((16, ROWS_PER_TILE, F), jnp.float32)

    w2p = jnp.zeros((F, F), jnp.float32).at[:, :2].set(W2)
    b2p = jnp.zeros((1, F), jnp.float32).at[0, :2].set(b2)
    w3row = jnp.zeros((1, F), jnp.float32).at[0, :2].set(W3[:, 0])
    b1r = b1.reshape(1, F)
    b3r = b3.reshape(1, 1)

    xw1 = _tc_matmul(x, W1)

    degp = _sc_degree(colp, ewp, zn)
    dega = degp[0, :N].reshape(N, 1)
    degb = degp[1, :N].reshape(N, 1)

    dis, y1, self1 = _tc_norm(dega, degb, xw1)

    y1p = jnp.pad(y1, ((0, NP - N), (0, 0)))
    acc1 = _sc_aggregate(rowp, colp, ewp, y1p, znf)
    acc1 = acc1.reshape(2, NP, F)
    y2, self2 = _tc_mid(acc1[0, :N], acc1[1, :N], self1, dis, b1r, w2p)

    y2p = jnp.pad(y2, ((0, NP - N), (0, 0)))
    acc2 = _sc_aggregate(rowp, colp, ewp, y2p, znf)
    acc2 = acc2.reshape(2, NP, F)
    out, x2p = _tc_post(acc2[0, :N], acc2[1, :N], self2, dis, b2p, w3row, b3r)

    return (out, x2p[:, :2])

# --- scband reference (transcript-rebuilt; emitter-appended) ---
"""Pipeline reference for scband-gnn-74105365725675 (READ-ONLY COPY).

The authoritative reference and input builder live on the scoring server;
editing this copy changes nothing except your own understanding.
"""

import jax, jax.numpy as jnp
import numpy as np

N_NODES = 10000
N_EDGES = 320000
D_IN = 128


def gcn_conv(x, edge_index, edge_weight, W, b):
    # Faithful PyG GCNConv (add_self_loops=True, normalize=True, sym norm)
    N = x.shape[0]
    row = edge_index[0]
    col = edge_index[1]
    loop = jnp.arange(N, dtype=row.dtype)
    row = jnp.concatenate([row, loop])
    col = jnp.concatenate([col, loop])
    ew = jnp.concatenate([edge_weight, jnp.ones((N,), dtype=x.dtype)])
    deg = jax.ops.segment_sum(ew, col, num_segments=N)
    deg_inv_sqrt = jnp.where(deg > 0, 1.0 / jnp.sqrt(deg), 0.0)
    norm = deg_inv_sqrt[row] * ew * deg_inv_sqrt[col]
    xw = x @ W  # linear transform (no bias inside lin)
    msg = norm[:, None] * jnp.take(xw, row, axis=0)
    out = jax.ops.segment_sum(msg, col, num_segments=N)
    return out + b


def setup_inputs(seed: int = 0) -> dict:
    key = jax.random.key(seed)
    ks = jax.random.split(key, 9)
    x = jax.random.normal(ks[0], (N_NODES, D_IN), dtype=jnp.float32)
    edge_index = jax.random.randint(ks[1], (2, N_EDGES), 0, N_NODES, dtype=jnp.int64)
    edge_attr = jax.random.uniform(ks[2], (N_EDGES,), dtype=jnp.float32)
    # GCNConv(128, 16)
    W1 = jax.random.normal(ks[3], (D_IN, 16), dtype=jnp.float32) * (1.0 / np.sqrt(D_IN))
    b1 = jnp.zeros((16,), dtype=jnp.float32)
    # GCNConv(16, 2)
    W2 = jax.random.normal(ks[4], (16, 2), dtype=jnp.float32) * (1.0 / np.sqrt(16))
    b2 = jnp.zeros((2,), dtype=jnp.float32)
    # Linear(2, 1)
    W3 = jax.random.normal(ks[5], (2, 1), dtype=jnp.float32) * (1.0 / np.sqrt(2))
    b3 = jnp.zeros((1,), dtype=jnp.float32)
    return {"x": x, "edge_index": edge_index, "edge_attr": edge_attr,
            "W1": W1, "b1": b1, "W2": W2, "b2": b2, "W3": W3, "b3": b3}


def reference(x, edge_index, edge_attr, W1, b1, W2, b2, W3, b3):
    h = gcn_conv(x, edge_index, edge_attr, W1, b1)
    h = jax.nn.relu(h)
    # F.dropout with training=self.training: identity in eval mode
    x2 = gcn_conv(h, edge_index, edge_attr, W2, b2)
    out = jax.nn.relu(x2)
    out = out @ W3 + b3
    out = jax.nn.sigmoid(out)
    return (out, x2)

if __name__ == "__main__":
    import jax
    _d = setup_inputs()
    print(jax.jit(kernel)(*tuple(_d.values())))

</pallas_src>

<mosaic_0001>
#map = affine_map<(d0, d1) -> (0, 0, 0)>
#map1 = affine_map<(d0, d1) -> (0)>
#map2 = affine_map<(d0, d1) -> (0, 0)>
module attributes {stable_mosaic.version = 14 : i64} {
  func.func @_sc_degree(%arg0: i32, %arg1: i32, %arg2: memref<32x79x128xi32, #tpu.memory_space<hbm>>, %arg3: memref<32x79x128xf32, #tpu.memory_space<hbm>>, %arg4: memref<10240xf32, #tpu.memory_space<hbm>>, %arg5: memref<2x10240xf32, #tpu.memory_space<hbm>>, %arg6: memref<10240xf32, #tpu.memory_space<vmem_shared>>, %arg7: memref<79x128xi32, #tpu.memory_space<vmem>>, %arg8: memref<79x128xf32, #tpu.memory_space<vmem>>) attributes {dimension_semantics = [#tpu.dimension_semantics<core_parallel>, #tpu.dimension_semantics<subcore_parallel>], iteration_bounds = array<i64: 2, 16>, scalar_prefetch = 0 : i64, scratch_operands = 3 : i64, tpu.core_type = #tpu.core_type<sc_vector_subcore>, window_params = [{transform_indices = #map}, {transform_indices = #map}, {transform_indices = #map1}, {transform_indices = #map2}]} {
    %mul3A = arith.constant 16 : i32
    %mul3A_0 = arith.muli %arg0, %mul3A : i32
    %add3A = arith.addi %mul3A_0, %arg1 : i32
    %eq3A = arith.constant 0 : i32
    %eq3A_1 = arith.cmpi eq, %arg1, %eq3A : i32
    %convert_element_type3A = arith.extui %eq3A_1 : i1 to i32
    %cond3A = arith.constant 0 : i32
    %cond3A_2 = arith.cmpi ne, %convert_element_type3A, %cond3A : i32
    scf.if %cond3A_2 {
      "tpu.region"() ({
        %run_scoped3A = tpu.sem_alloc : memref<!tpu.dma_semaphore, #tpu.memory_space<semaphore_mem>>
        tpu.enqueue_dma source(%arg4 : memref<10240xf32, #tpu.memory_space<hbm>>) target(%arg6 : memref<10240xf32, #tpu.memory_space<vmem_shared>>) target_semaphore(%run_scoped3A : memref<!tpu.dma_semaphore, #tpu.memory_space<semaphore_mem>>)
        tpu.wait_dma2 semaphore(%run_scoped3A : memref<!tpu.dma_semaphore, #tpu.memory_space<semaphore_mem>>) src(%arg4 : memref<10240xf32, #tpu.memory_space<hbm>>) dst(%arg6 : memref<10240xf32, #tpu.memory_space<vmem_shared>>)
        tpu.yield
      }) : () -> ()
    } else {
    }
    %barrier3A = arith.constant 0 : index
    tpu.barrier barrier_id(%barrier3A)
    "tpu.region"() ({
      %run_scoped3A = tpu.sem_alloc : memref<!tpu.dma_semaphore, #tpu.memory_space<semaphore_mem>>
      %dma_start3A = arith.constant 0 : i32
      %dma_start3A_14 = arith.constant 0 : i32
      %dma_start3A_15 = tpu.memref_slice %arg2[%add3A, %dma_start3A, %dma_start3A_14] : memref<32x79x128xi32, #tpu.memory_space<hbm>> -> memref<1x79x128xi32, #tpu.memory_space<hbm>>
      %dma_start3A_16 = tpu.memref_squeeze %dma_start3A_15 : memref<1x79x128xi32, #tpu.memory_space<hbm>> -> memref<79x128xi32, #tpu.memory_space<hbm>>
      %dma_start3A_17 = arith.constant 0 : i32
      %dma_start3A_18 = arith.constant 0 : i32
      %dma_start3A_19 = tpu.memref_slice %arg2[%add3A, %dma_start3A_17, %dma_start3A_18] : memref<32x79x128xi32, #tpu.memory_space<hbm>> -> memref<1x79x128xi32, #tpu.memory_space<hbm>>
      %dma_start3A_20 = tpu.memref_squeeze %dma_start3A_19 : memref<1x79x128xi32, #tpu.memory_space<hbm>> -> memref<79x128xi32, #tpu.memory_space<hbm>>
      tpu.enqueue_dma source(%dma_start3A_20 : memref<79x128xi32, #tpu.memory_space<hbm>>) target(%arg7 : memref<79x128xi32, #tpu.memory_space<vmem>>) target_semaphore(%run_scoped3A : memref<!tpu.dma_semaphore, #tpu.memory_space<semaphore_mem>>)
      %dma_wait3A = arith.constant 0 : i32
      %dma_wait3A_21 = arith.constant 0 : i32
      %dma_wait3A_22 = tpu.memref_slice %arg2[%add3A, %dma_wait3A, %dma_wait3A_21] : memref<32x79x128xi32, #tpu.memory_space<hbm>> -> memref<1x79x128xi32, #tpu.memory_space<hbm>>
      %dma_wait3A_23 = tpu.memref_squeeze %dma_wait3A_22 : memref<1x79x128xi32, #tpu.memory_space<hbm>> -> memref<79x128xi32, #tpu.memory_space<hbm>>
      %dma_wait3A_24 = arith.constant 0 : i32
      %dma_wait3A_25 = arith.constant 0 : i32
      %dma_wait3A_26 = tpu.memref_slice %arg2[%add3A, %dma_wait3A_24, %dma_wait3A_25] : memref<32x79x128xi32, #tpu.memory_space<hbm>> -> memref<1x79x128xi32, #tpu.memory_space<hbm>>
      %dma_wait3A_27 = tpu.memref_squeeze %dma_wait3A_26 : memref<1x79x128xi32, #tpu.memory_space<hbm>> -> memref<79x128xi32, #tpu.memory_space<hbm>>
      tpu.wait_dma2 semaphore(%run_scoped3A : memref<!tpu.dma_semaphore, #tpu.memory_space<semaphore_mem>>) src(%dma_wait3A_27 : memref<79x128xi32, #tpu.memory_space<hbm>>) dst(%arg7 : memref<79x128xi32, #tpu.memory_space<vmem>>)
      tpu.yield
    }) : () -> ()
    "tpu.region"() ({
      %run_scoped3A = tpu.sem_alloc : memref<!tpu.dma_semaphore, #tpu.memory_space<semaphore_mem>>
      %dma_start3A = arith.constant 0 : i32
      %dma_start3A_14 = arith.constant 0 : i32
      %dma_start3A_15 = tpu.memref_slice %arg3[%add3A, %dma_start3A, %dma_start3A_14] : memref<32x79x128xf32, #tpu.memory_space<hbm>> -> memref<1x79x128xf32, #tpu.memory_space<hbm>>
      %dma_start3A_16 = tpu.memref_squeeze %dma_start3A_15 : memref<1x79x128xf32, #tpu.memory_space<hbm>> -> memref<79x128xf32, #tpu.memory_space<hbm>>
      %dma_start3A_17 = arith.constant 0 : i32
      %dma_start3A_18 = arith.constant 0 : i32
      %dma_start3A_19 = tpu.memref_slice %arg3[%add3A, %dma_start3A_17, %dma_start3A_18] : memref<32x79x128xf32, #tpu.memory_space<hbm>> -> memref<1x79x128xf32, #tpu.memory_space<hbm>>
      %dma_start3A_20 = tpu.memref_squeeze %dma_start3A_19 : memref<1x79x128xf32, #tpu.memory_space<hbm>> -> memref<79x128xf32, #tpu.memory_space<hbm>>
      tpu.enqueue_dma source(%dma_start3A_20 : memref<79x128xf32, #tpu.memory_space<hbm>>) target(%arg8 : memref<79x128xf32, #tpu.memory_space<vmem>>) target_semaphore(%run_scoped3A : memref<!tpu.dma_semaphore, #tpu.memory_space<semaphore_mem>>)
      %dma_wait3A = arith.constant 0 : i32
      %dma_wait3A_21 = arith.constant 0 : i32
      %dma_wait3A_22 = tpu.memref_slice %arg3[%add3A, %dma_wait3A, %dma_wait3A_21] : memref<32x79x128xf32, #tpu.memory_space<hbm>> -> memref<1x79x128xf32, #tpu.memory_space<hbm>>
      %dma_wait3A_23 = tpu.memref_squeeze %dma_wait3A_22 : memref<1x79x128xf32, #tpu.memory_space<hbm>> -> memref<79x128xf32, #tpu.memory_space<hbm>>
      %dma_wait3A_24 = arith.constant 0 : i32
      %dma_wait3A_25 = arith.constant 0 : i32
      %dma_wait3A_26 = tpu.memref_slice %arg3[%add3A, %dma_wait3A_24, %dma_wait3A_25] : memref<32x79x128xf32, #tpu.memory_space<hbm>> -> memref<1x79x128xf32, #tpu.memory_space<hbm>>
      %dma_wait3A_27 = tpu.memref_squeeze %dma_wait3A_26 : memref<1x79x128xf32, #tpu.memory_space<hbm>> -> memref<79x128xf32, #tpu.memory_space<hbm>>
      tpu.wait_dma2 semaphore(%run_scoped3A : memref<!tpu.dma_semaphore, #tpu.memory_space<semaphore_mem>>) src(%dma_wait3A_27 : memref<79x128xf32, #tpu.memory_space<hbm>>) dst(%arg8 : memref<79x128xf32, #tpu.memory_space<vmem>>)
      tpu.yield
    }) : () -> ()
    %scan3A = arith.constant 0 : i32
    %scan3A_3 = arith.constant 0 : i32
    %scan3A_4 = arith.constant 79 : i32
    %scan3A_5 = arith.addi %scan3A_3, %scan3A_4 : i32
    %scan3A_6 = arith.constant 1 : i32
    scf.for %scan3A_14 = %scan3A_3 to %scan3A_5 step %scan3A_6  : i32 {
      "tpu.region"() ({
        %run_scoped3A = tpu.sem_alloc : memref<!tpu.dma_semaphore, #tpu.memory_space<semaphore_mem>>
        %dma_start3A = arith.constant 0 : i32
        %dma_start3A_15 = tpu.memref_slice %arg8[%scan3A_14, %dma_start3A] : memref<79x128xf32, #tpu.memory_space<vmem>> -> memref<1x128xf32, #tpu.memory_space<vmem>>
        %dma_start3A_16 = tpu.memref_squeeze %dma_start3A_15 : memref<1x128xf32, #tpu.memory_space<vmem>> -> memref<128xf32, #tpu.memory_space<vmem>>
        %dma_start3A_17 = arith.constant 0 : i32
        %dma_start3A_18 = tpu.memref_slice %arg7[%scan3A_14, %dma_start3A_17] : memref<79x128xi32, #tpu.memory_space<vmem>> -> memref<1x128xi32, #tpu.memory_space<vmem>>
        %dma_start3A_19 = tpu.memref_squeeze %dma_start3A_18 : memref<1x128xi32, #tpu.memory_space<vmem>> -> memref<128xi32, #tpu.memory_space<vmem>>
        %dma_start3A_20 = arith.constant 0 : i32
        %dma_start3A_21 = tpu.memref_slice %arg6[%dma_start3A_20] : memref<10240xf32, #tpu.memory_space<vmem_shared>> -> memref<10240xf32, #tpu.memory_space<vmem_shared>>
        tpu.enqueue_indirect_dma source(%dma_start3A_16 : memref<128xf32, #tpu.memory_space<vmem>>) target(%dma_start3A_21 : memref<10240xf32, #tpu.memory_space<vmem_shared>>) offsets(%dma_start3A_19 : memref<128xi32, #tpu.memory_space<vmem>>) semaphore(%run_scoped3A : memref<!tpu.dma_semaphore, #tpu.memory_space<semaphore_mem>>) {add = true}
        %dma_wait3A = arith.constant 0 : i32
        %dma_wait3A_22 = tpu.memref_slice %arg8[%scan3A_14, %dma_wait3A] : memref<79x128xf32, #tpu.memory_space<vmem>> -> memref<1x128xf32, #tpu.memory_space<vmem>>
        %dma_wait3A_23 = tpu.memref_squeeze %dma_wait3A_22 : memref<1x128xf32, #tpu.memory_space<vmem>> -> memref<128xf32, #tpu.memory_space<vmem>>
        %dma_wait3A_24 = arith.constant 0 : i32
        %dma_wait3A_25 = tpu.memref_slice %arg7[%scan3A_14, %dma_wait3A_24] : memref<79x128xi32, #tpu.memory_space<vmem>> -> memref<1x128xi32, #tpu.memory_space<vmem>>
        %dma_wait3A_26 = tpu.memref_squeeze %dma_wait3A_25 : memref<1x128xi32, #tpu.memory_space<vmem>> -> memref<128xi32, #tpu.memory_space<vmem>>
        %dma_wait3A_27 = arith.constant 0 : i32
        %dma_wait3A_28 = tpu.memref_slice %arg6[%dma_wait3A_27] : memref<10240xf32, #tpu.memory_space<vmem_shared>> -> memref<10240xf32, #tpu.memory_space<vmem_shared>>
        tpu.wait_indirect_dma semaphore(%run_scoped3A : memref<!tpu.dma_semaphore, #tpu.memory_space<semaphore_mem>>) src(%dma_wait3A_23 : memref<128xf32, #tpu.memory_space<vmem>>) dst(%dma_wait3A_28 : memref<10240xf32, #tpu.memory_space<vmem_shared>>)
        tpu.yield
      }) : () -> ()
    }
    %scan3A_7 = arith.constant 79 : i32
    %barrier3A_8 = arith.constant 0 : index
    tpu.barrier barrier_id(%barrier3A_8)
    %eq3A_9 = arith.constant 0 : i32
    %eq3A_10 = arith.cmpi eq, %arg1, %eq3A_9 : i32
    %convert_element_type3A_11 = arith.extui %eq3A_10 : i1 to i32
    %cond3A_12 = arith.constant 0 : i32
    %cond3A_13 = arith.cmpi ne, %convert_element_type3A_11, %cond3A_12 : i32
    scf.if %cond3A_13 {
      "tpu.region"() ({
        %run_scoped3A = tpu.sem_alloc : memref<!tpu.dma_semaphore, #tpu.memory_space<semaphore_mem>>
        %dma_start3A = arith.constant 0 : i32
        %dma_start3A_14 = tpu.memref_slice %arg5[%arg0, %dma_start3A] : memref<2x10240xf32, #tpu.memory_space<hbm>> -> memref<1x10240xf32, #tpu.memory_space<hbm>>
        %dma_start3A_15 = tpu.memref_squeeze %dma_start3A_14 : memref<1x10240xf32, #tpu.memory_space<hbm>> -> memref<10240xf32, #tpu.memory_space<hbm>>
        tpu.enqueue_dma source(%arg6 : memref<10240xf32, #tpu.memory_space<vmem_shared>>) target(%dma_start3A_15 : memref<10240xf32, #tpu.memory_space<hbm>>) target_semaphore(%run_scoped3A : memref<!tpu.dma_semaphore, #tpu.memory_space<semaphore_mem>>)
        %dma_wait3A = arith.constant 0 : i32
        %dma_wait3A_16 = tpu.memref_slice %arg5[%arg0, %dma_wait3A] : memref<2x10240xf32, #tpu.memory_space<hbm>> -> memref<1x10240xf32, #tpu.memory_space<hbm>>
        %dma_wait3A_17 = tpu.memref_squeeze %dma_wait3A_16 : memref<1x10240xf32, #tpu.memory_space<hbm>> -> memref<10240xf32, #tpu.memory_space<hbm>>
        tpu.wait_dma2 semaphore(%run_scoped3A : memref<!tpu.dma_semaphore, #tpu.memory_space<semaphore_mem>>) src(%arg6 : memref<10240xf32, #tpu.memory_space<vmem_shared>>) dst(%dma_wait3A_17 : memref<10240xf32, #tpu.memory_space<hbm>>)
        tpu.yield
      }) : () -> ()
    } else {
    }
    return
  }
}

#map = affine_map<(d0, d1) -> (0, 0, 0)>
#map1 = affine_map<(d0, d1) -> (0, 0)>
#map2 = affine_map<(d0, d1) -> (0, 0, 0, 0)>
module attributes {stable_mosaic.version = 14 : i64} {
  func.func @_sc_aggregate(%arg0: i32, %arg1: i32, %arg2: memref<32x79x128xi32, #tpu.memory_space<hbm>>, %arg3: memref<32x79x128xi32, #tpu.memory_space<hbm>>, %arg4: memref<32x79x128xf32, #tpu.memory_space<hbm>>, %arg5: memref<10240x16xf32, #tpu.memory_space<hbm>>, %arg6: memref<16x640x16xf32, #tpu.memory_space<hbm>>, %arg7: memref<2x16x640x16xf32, #tpu.memory_space<hbm>>, %arg8: memref<10240x16xf32, #tpu.memory_space<vmem_shared>>, %arg9: memref<79x128xi32, #tpu.memory_space<vmem>>, %arg10: memref<79x128xi32, #tpu.memory_space<vmem>>, %arg11: memref<79x128xf32, #tpu.memory_space<vmem>>, %arg12: memref<128x16xf32, #tpu.memory_space<vmem>>, %arg13: memref<!tpu.dma_semaphore, #tpu.memory_space<semaphore_mem>>) attributes {dimension_semantics = [#tpu.dimension_semantics<core_parallel>, #tpu.dimension_semantics<subcore_parallel>], iteration_bounds = array<i64: 2, 16>, scalar_prefetch = 0 : i64, scratch_operands = 6 : i64, tpu.core_type = #tpu.core_type<sc_vector_subcore>, window_params = [{transform_indices = #map}, {transform_indices = #map}, {transform_indices = #map}, {transform_indices = #map1}, {transform_indices = #map}, {transform_indices = #map2}]} {
    %mul3A = arith.constant 16 : i32
    %mul3A_0 = arith.muli %arg0, %mul3A : i32
    %add3A = arith.addi %mul3A_0, %arg1 : i32
    %mul3A_1 = arith.constant 640 : i32
    %mul3A_2 = arith.muli %arg1, %mul3A_1 : i32
    %multiple_of3A = tpu.assume_multiple %mul3A_2, 8 : i32
    "tpu.region"() ({
      %run_scoped3A = tpu.sem_alloc : memref<!tpu.dma_semaphore, #tpu.memory_space<semaphore_mem>>
      %dma_start3A = arith.constant 0 : i32
      %dma_start3A_9 = tpu.memref_slice %arg8[%multiple_of3A, %dma_start3A] : memref<10240x16xf32, #tpu.memory_space<vmem_shared>> -> memref<640x16xf32, #tpu.memory_space<vmem_shared>>
      %dma_start3A_10 = arith.constant 0 : i32
      %dma_start3A_11 = arith.constant 0 : i32
      %dma_start3A_12 = tpu.memref_slice %arg6[%arg1, %dma_start3A_10, %dma_start3A_11] : memref<16x640x16xf32, #tpu.memory_space<hbm>> -> memref<1x640x16xf32, #tpu.memory_space<hbm>>
      %dma_start3A_13 = tpu.memref_squeeze %dma_start3A_12 : memref<1x640x16xf32, #tpu.memory_space<hbm>> -> memref<640x16xf32, #tpu.memory_space<hbm>>
      tpu.enqueue_dma source(%dma_start3A_13 : memref<640x16xf32, #tpu.memory_space<hbm>>) target(%dma_start3A_9 : memref<640x16xf32, #tpu.memory_space<vmem_shared>>) target_semaphore(%run_scoped3A : memref<!tpu.dma_semaphore, #tpu.memory_space<semaphore_mem>>)
      %dma_wait3A = arith.constant 0 : i32
      %dma_wait3A_14 = tpu.memref_slice %arg8[%multiple_of3A, %dma_wait3A] : memref<10240x16xf32, #tpu.memory_space<vmem_shared>> -> memref<640x16xf32, #tpu.memory_space<vmem_shared>>
      %dma_wait3A_15 = arith.constant 0 : i32
      %dma_wait3A_16 = arith.constant 0 : i32
      %dma_wait3A_17 = tpu.memref_slice %arg6[%arg1, %dma_wait3A_15, %dma_wait3A_16] : memref<16x640x16xf32, #tpu.memory_space<hbm>> -> memref<1x640x16xf32, #tpu.memory_space<hbm>>
      %dma_wait3A_18 = tpu.memref_squeeze %dma_wait3A_17 : memref<1x640x16xf32, #tpu.memory_space<hbm>> -> memref<640x16xf32, #tpu.memory_space<hbm>>
      tpu.wait_dma2 semaphore(%run_scoped3A : memref<!tpu.dma_semaphore, #tpu.memory_space<semaphore_mem>>) src(%dma_wait3A_18 : memref<640x16xf32, #tpu.memory_space<hbm>>) dst(%dma_wait3A_14 : memref<640x16xf32, #tpu.memory_space<vmem_shared>>)
      tpu.yield
    }) : () -> ()
    %barrier3A = arith.constant 0 : index
    tpu.barrier barrier_id(%barrier3A)
    "tpu.region"() ({
      %run_scoped3A = tpu.sem_alloc : memref<!tpu.dma_semaphore, #tpu.memory_space<semaphore_mem>>
      %dma_start3A = arith.constant 0 : i32
      %dma_start3A_9 = arith.constant 0 : i32
      %dma_start3A_10 = tpu.memref_slice %arg2[%add3A, %dma_start3A, %dma_start3A_9] : memref<32x79x128xi32, #tpu.memory_space<hbm>> -> memref<1x79x128xi32, #tpu.memory_space<hbm>>
      %dma_start3A_11 = tpu.memref_squeeze %dma_start3A_10 : memref<1x79x128xi32, #tpu.memory_space<hbm>> -> memref<79x128xi32, #tpu.memory_space<hbm>>
      %dma_start3A_12 = arith.constant 0 : i32
      %dma_start3A_13 = arith.constant 0 : i32
      %dma_start3A_14 = tpu.memref_slice %arg2[%add3A, %dma_start3A_12, %dma_start3A_13] : memref<32x79x128xi32, #tpu.memory_space<hbm>> -> memref<1x79x128xi32, #tpu.memory_space<hbm>>
      %dma_start3A_15 = tpu.memref_squeeze %dma_start3A_14 : memref<1x79x128xi32, #tpu.memory_space<hbm>> -> memref<79x128xi32, #tpu.memory_space<hbm>>
      tpu.enqueue_dma source(%dma_start3A_15 : memref<79x128xi32, #tpu.memory_space<hbm>>) target(%arg9 : memref<79x128xi32, #tpu.memory_space<vmem>>) target_semaphore(%run_scoped3A : memref<!tpu.dma_semaphore, #tpu.memory_space<semaphore_mem>>)
      %dma_wait3A = arith.constant 0 : i32
      %dma_wait3A_16 = arith.constant 0 : i32
      %dma_wait3A_17 = tpu.memref_slice %arg2[%add3A, %dma_wait3A, %dma_wait3A_16] : memref<32x79x128xi32, #tpu.memory_space<hbm>> -> memref<1x79x128xi32, #tpu.memory_space<hbm>>
      %dma_wait3A_18 = tpu.memref_squeeze %dma_wait3A_17 : memref<1x79x128xi32, #tpu.memory_space<hbm>> -> memref<79x128xi32, #tpu.memory_space<hbm>>
      %dma_wait3A_19 = arith.constant 0 : i32
      %dma_wait3A_20 = arith.constant 0 : i32
      %dma_wait3A_21 = tpu.memref_slice %arg2[%add3A, %dma_wait3A_19, %dma_wait3A_20] : memref<32x79x128xi32, #tpu.memory_space<hbm>> -> memref<1x79x128xi32, #tpu.memory_space<hbm>>
      %dma_wait3A_22 = tpu.memref_squeeze %dma_wait3A_21 : memref<1x79x128xi32, #tpu.memory_space<hbm>> -> memref<79x128xi32, #tpu.memory_space<hbm>>
      tpu.wait_dma2 semaphore(%run_scoped3A : memref<!tpu.dma_semaphore, #tpu.memory_space<semaphore_mem>>) src(%dma_wait3A_22 : memref<79x128xi32, #tpu.memory_space<hbm>>) dst(%arg9 : memref<79x128xi32, #tpu.memory_space<vmem>>)
      tpu.yield
    }) : () -> ()
    "tpu.region"() ({
      %run_scoped3A = tpu.sem_alloc : memref<!tpu.dma_semaphore, #tpu.memory_space<semaphore_mem>>
      %dma_start3A = arith.constant 0 : i32
      %dma_start3A_9 = arith.constant 0 : i32
      %dma_start3A_10 = tpu.memref_slice %arg3[%add3A, %dma_start3A, %dma_start3A_9] : memref<32x79x128xi32, #tpu.memory_space<hbm>> -> memref<1x79x128xi32, #tpu.memory_space<hbm>>
      %dma_start3A_11 = tpu.memref_squeeze %dma_start3A_10 : memref<1x79x128xi32, #tpu.memory_space<hbm>> -> memref<79x128xi32, #tpu.memory_space<hbm>>
      %dma_start3A_12 = arith.constant 0 : i32
      %dma_start3A_13 = arith.constant 0 : i32
      %dma_start3A_14 = tpu.memref_slice %arg3[%add3A, %dma_start3A_12, %dma_start3A_13] : memref<32x79x128xi32, #tpu.memory_space<hbm>> -> memref<1x79x128xi32, #tpu.memory_space<hbm>>
      %dma_start3A_15 = tpu.memref_squeeze %dma_start3A_14 : memref<1x79x128xi32, #tpu.memory_space<hbm>> -> memref<79x128xi32, #tpu.memory_space<hbm>>
      tpu.enqueue_dma source(%dma_start3A_15 : memref<79x128xi32, #tpu.memory_space<hbm>>) target(%arg10 : memref<79x128xi32, #tpu.memory_space<vmem>>) target_semaphore(%run_scoped3A : memref<!tpu.dma_semaphore, #tpu.memory_space<semaphore_mem>>)
      %dma_wait3A = arith.constant 0 : i32
      %dma_wait3A_16 = arith.constant 0 : i32
      %dma_wait3A_17 = tpu.memref_slice %arg3[%add3A, %dma_wait3A, %dma_wait3A_16] : memref<32x79x128xi32, #tpu.memory_space<hbm>> -> memref<1x79x128xi32, #tpu.memory_space<hbm>>
      %dma_wait3A_18 = tpu.memref_squeeze %dma_wait3A_17 : memref<1x79x128xi32, #tpu.memory_space<hbm>> -> memref<79x128xi32, #tpu.memory_space<hbm>>
      %dma_wait3A_19 = arith.constant 0 : i32
      %dma_wait3A_20 = arith.constant 0 : i32
      %dma_wait3A_21 = tpu.memref_slice %arg3[%add3A, %dma_wait3A_19, %dma_wait3A_20] : memref<32x79x128xi32, #tpu.memory_space<hbm>> -> memref<1x79x128xi32, #tpu.memory_space<hbm>>
      %dma_wait3A_22 = tpu.memref_squeeze %dma_wait3A_21 : memref<1x79x128xi32, #tpu.memory_space<hbm>> -> memref<79x128xi32, #tpu.memory_space<hbm>>
      tpu.wait_dma2 semaphore(%run_scoped3A : memref<!tpu.dma_semaphore, #tpu.memory_space<semaphore_mem>>) src(%dma_wait3A_22 : memref<79x128xi32, #tpu.memory_space<hbm>>) dst(%arg10 : memref<79x128xi32, #tpu.memory_space<vmem>>)
      tpu.yield
    }) : () -> ()
    "tpu.region"() ({
      %run_scoped3A = tpu.sem_alloc : memref<!tpu.dma_semaphore, #tpu.memory_space<semaphore_mem>>
      %dma_start3A = arith.constant 0 : i32
      %dma_start3A_9 = arith.constant 0 : i32
      %dma_start3A_10 = tpu.memref_slice %arg4[%add3A, %dma_start3A, %dma_start3A_9] : memref<32x79x128xf32, #tpu.memory_space<hbm>> -> memref<1x79x128xf32, #tpu.memory_space<hbm>>
      %dma_start3A_11 = tpu.memref_squeeze %dma_start3A_10 : memref<1x79x128xf32, #tpu.memory_space<hbm>> -> memref<79x128xf32, #tpu.memory_space<hbm>>
      %dma_start3A_12 = arith.constant 0 : i32
      %dma_start3A_13 = arith.constant 0 : i32
      %dma_start3A_14 = tpu.memref_slice %arg4[%add3A, %dma_start3A_12, %dma_start3A_13] : memref<32x79x128xf32, #tpu.memory_space<hbm>> -> memref<1x79x128xf32, #tpu.memory_space<hbm>>
      %dma_start3A_15 = tpu.memref_squeeze %dma_start3A_14 : memref<1x79x128xf32, #tpu.memory_space<hbm>> -> memref<79x128xf32, #tpu.memory_space<hbm>>
      tpu.enqueue_dma source(%dma_start3A_15 : memref<79x128xf32, #tpu.memory_space<hbm>>) target(%arg11 : memref<79x128xf32, #tpu.memory_space<vmem>>) target_semaphore(%run_scoped3A : memref<!tpu.dma_semaphore, #tpu.memory_space<semaphore_mem>>)
      %dma_wait3A = arith.constant 0 : i32
      %dma_wait3A_16 = arith.constant 0 : i32
      %dma_wait3A_17 = tpu.memref_slice %arg4[%add3A, %dma_wait3A, %dma_wait3A_16] : memref<32x79x128xf32, #tpu.memory_space<hbm>> -> memref<1x79x128xf32, #tpu.memory_space<hbm>>
      %dma_wait3A_18 = tpu.memref_squeeze %dma_wait3A_17 : memref<1x79x128xf32, #tpu.memory_space<hbm>> -> memref<79x128xf32, #tpu.memory_space<hbm>>
      %dma_wait3A_19 = arith.constant 0 : i32
      %dma_wait3A_20 = arith.constant 0 : i32
      %dma_wait3A_21 = tpu.memref_slice %arg4[%add3A, %dma_wait3A_19, %dma_wait3A_20] : memref<32x79x128xf32, #tpu.memory_space<hbm>> -> memref<1x79x128xf32, #tpu.memory_space<hbm>>
      %dma_wait3A_22 = tpu.memref_squeeze %dma_wait3A_21 : memref<1x79x128xf32, #tpu.memory_space<hbm>> -> memref<79x128xf32, #tpu.memory_space<hbm>>
      tpu.wait_dma2 semaphore(%run_scoped3A : memref<!tpu.dma_semaphore, #tpu.memory_space<semaphore_mem>>) src(%dma_wait3A_22 : memref<79x128xf32, #tpu.memory_space<hbm>>) dst(%arg11 : memref<79x128xf32, #tpu.memory_space<vmem>>)
      tpu.yield
    }) : () -> ()
    %scan3A = arith.constant 0 : i32
    %scan3A_3 = arith.constant 0 : i32
    %scan3A_4 = arith.constant 79 : i32
    %scan3A_5 = arith.addi %scan3A_3, %scan3A_4 : i32
    %scan3A_6 = arith.constant 1 : i32
    scf.for %scan3A_9 = %scan3A_3 to %scan3A_5 step %scan3A_6  : i32 {
      %dma_start3A = arith.constant 0 : i32
      %dma_start3A_10 = tpu.memref_slice %arg9[%scan3A_9, %dma_start3A] : memref<79x128xi32, #tpu.memory_space<vmem>> -> memref<1x128xi32, #tpu.memory_space<vmem>>
      %dma_start3A_11 = tpu.memref_squeeze %dma_start3A_10 : memref<1x128xi32, #tpu.memory_space<vmem>> -> memref<128xi32, #tpu.memory_space<vmem>>
      %dma_start3A_12 = arith.constant 0 : i32
      %dma_start3A_13 = arith.constant 0 : i32
      %dma_start3A_14 = tpu.memref_slice %arg5[%dma_start3A_12, %dma_start3A_13] : memref<10240x16xf32, #tpu.memory_space<hbm>> -> memref<10240x16xf32, #tpu.memory_space<hbm>>
      tpu.enqueue_indirect_dma source(%dma_start3A_14 : memref<10240x16xf32, #tpu.memory_space<hbm>>) target(%arg12 : memref<128x16xf32, #tpu.memory_space<vmem>>) offsets(%dma_start3A_11 : memref<128xi32, #tpu.memory_space<vmem>>) semaphore(%arg13 : memref<!tpu.dma_semaphore, #tpu.memory_space<semaphore_mem>>)
      %dma_wait3A = arith.constant 0 : i32
      %dma_wait3A_15 = tpu.memref_slice %arg9[%scan3A_9, %dma_wait3A] : memref<79x128xi32, #tpu.memory_space<vmem>> -> memref<1x128xi32, #tpu.memory_space<vmem>>
      %dma_wait3A_16 = tpu.memref_squeeze %dma_wait3A_15 : memref<1x128xi32, #tpu.memory_space<vmem>> -> memref<128xi32, #tpu.memory_space<vmem>>
      %dma_wait3A_17 = arith.constant 0 : i32
      %dma_wait3A_18 = arith.constant 0 : i32
      %dma_wait3A_19 = tpu.memref_slice %arg5[%dma_wait3A_17, %dma_wait3A_18] : memref<10240x16xf32, #tpu.memory_space<hbm>> -> memref<10240x16xf32, #tpu.memory_space<hbm>>
      tpu.wait_indirect_dma semaphore(%arg13 : memref<!tpu.dma_semaphore, #tpu.memory_space<semaphore_mem>>) src(%dma_wait3A_19 : memref<10240x16xf32, #tpu.memory_space<hbm>>) dst(%arg12 : memref<128x16xf32, #tpu.memory_space<vmem>>)
      %scan3A_20 = arith.constant 0 : i32
      %scan3A_21 = arith.constant 0 : i32
      %scan3A_22 = arith.constant 8 : i32
      %scan3A_23 = arith.addi %scan3A_21, %scan3A_22 : i32
      %scan3A_24 = arith.constant 1 : i32
      scf.for %scan3A_26 = %scan3A_21 to %scan3A_23 step %scan3A_24  : i32 {
        %mul3A_27 = arith.constant 16 : i32
        %mul3A_28 = arith.muli %scan3A_26, %mul3A_27 : i32
        %get3A = arith.index_cast %scan3A_9 : i32 to index
        %get3A_29 = arith.index_cast %mul3A_28 : i32 to index
        %get3A_30 = tpu.vector_load %arg11[%get3A, %get3A_29] {strides = array<i32>} : memref<79x128xf32, #tpu.memory_space<vmem>>, vector<1x16xf32>,
        %get3A_31 = vector.shape_cast %get3A_30 : vector<1x16xf32> to vector<16xf32>
        %add3A_32 = arith.constant 0 : i32
        %add3A_33 = arith.addi %mul3A_28, %add3A_32 : i32
        %get3A_34 = arith.index_cast %add3A_33 : i32 to index
        %get3A_35 = arith.constant 0 : index
        %get3A_36 = tpu.vector_load %arg12[%get3A_34, %get3A_35] {strides = array<i32>} : memref<128x16xf32, #tpu.memory_space<vmem>>, vector<1x16xf32>,
        %get3A_37 = vector.shape_cast %get3A_36 : vector<1x16xf32> to vector<16xf32>
        %slice3A = vector.extract_strided_slice %get3A_31 {offsets = [0], sizes = [1], strides = [1]} : vector<16xf32> to vector<1xf32>
        %squeeze3A = vector.extract %slice3A[0] : f32 from vector<1xf32>
        %mul3A_38 = vector.broadcast %squeeze3A : f32 to vector<16xf32>
        %mul3A_39 = arith.mulf %get3A_37, %mul3A_38 : vector<16xf32>
        %add3A_40 = arith.constant 0 : i32
        %add3A_41 = arith.addi %mul3A_28, %add3A_40 : i32
        %swap3A = arith.index_cast %add3A_41 : i32 to index
        %swap3A_42 = arith.constant 0 : index
        %swap3A_43 = tpu.vector_load %arg12[%swap3A, %swap3A_42] {strides = array<i32>} : memref<128x16xf32, #tpu.memory_space<vmem>>, vector<1x16xf32>,
        %swap3A_44 = vector.shape_cast %swap3A_43 : vector<1x16xf32> to vector<16xf32>
        %swap3A_45 = vector.shape_cast %mul3A_39 : vector<16xf32> to vector<1x16xf32>
        tpu.vector_store %arg12[%swap3A, %swap3A_42], %swap3A_45 {strides = array<i32>} : memref<128x16xf32, #tpu.memory_space<vmem>>, vector<1x16xf32>,
        %add3A_46 = arith.constant 1 : i32
        %add3A_47 = arith.addi %mul3A_28, %add3A_46 : i32
        %get3A_48 = arith.index_cast %add3A_47 : i32 to index
        %get3A_49 = arith.constant 0 : index
        %get3A_50 = tpu.vector_load %arg12[%get3A_48, %get3A_49] {strides = array<i32>} : memref<128x16xf32, #tpu.memory_space<vmem>>, vector<1x16xf32>,
        %get3A_51 = vector.shape_cast %get3A_50 : vector<1x16xf32> to vector<16xf32>
        %slice3A_52 = vector.extract_strided_slice %get3A_31 {offsets = [1], sizes = [1], strides = [1]} : vector<16xf32> to vector<1xf32>
        %squeeze3A_53 = vector.extract %slice3A_52[0] : f32 from vector<1xf32>
        %mul3A_54 = vector.broadcast %squeeze3A_53 : f32 to vector<16xf32>
        %mul3A_55 = arith.mulf %get3A_51, %mul3A_54 : vector<16xf32>
        %add3A_56 = arith.constant 1 : i32
        %add3A_57 = arith.addi %mul3A_28, %add3A_56 : i32
        %swap3A_58 = arith.index_cast %add3A_57 : i32 to index
        %swap3A_59 = arith.constant 0 : index
        %swap3A_60 = tpu.vector_load %arg12[%swap3A_58, %swap3A_59] {strides = array<i32>} : memref<128x16xf32, #tpu.memory_space<vmem>>, vector<1x16xf32>,
        %swap3A_61 = vector.shape_cast %swap3A_60 : vector<1x16xf32> to vector<16xf32>
        %swap3A_62 = vector.shape_cast %mul3A_55 : vector<16xf32> to vector<1x16xf32>
        tpu.vector_store %arg12[%swap3A_58, %swap3A_59], %swap3A_62 {strides = array<i32>} : memref<128x16xf32, #tpu.memory_space<vmem>>, vector<1x16xf32>,
        %add3A_63 = arith.constant 2 : i32
        %add3A_64 = arith.addi %mul3A_28, %add3A_63 : i32
        %get3A_65 = arith.index_cast %add3A_64 : i32 to index
        %get3A_66 = arith.constant 0 : index
        %get3A_67 = tpu.vector_load %arg12[%get3A_65, %get3A_66] {strides = array<i32>} : memref<128x16xf32, #tpu.memory_space<vmem>>, vector<1x16xf32>,
        %get3A_68 = vector.shape_cast %get3A_67 : vector<1x16xf32> to vector<16xf32>
        %slice3A_69 = vector.extract_strided_slice %get3A_31 {offsets = [2], sizes = [1], strides = [1]} : vector<16xf32> to vector<1xf32>
        %squeeze3A_70 = vector.extract %slice3A_69[0] : f32 from vector<1xf32>
        %mul3A_71 = vector.broadcast %squeeze3A_70 : f32 to vector<16xf32>
        %mul3A_72 = arith.mulf %get3A_68, %mul3A_71 : vector<16xf32>
        %add3A_73 = arith.constant 2 : i32
        %add3A_74 = arith.addi %mul3A_28, %add3A_73 : i32
        %swap3A_75 = arith.index_cast %add3A_74 : i32 to index
        %swap3A_76 = arith.constant 0 : index
        %swap3A_77 = tpu.vector_load %arg12[%swap3A_75, %swap3A_76] {strides = array<i32>} : memref<128x16xf32, #tpu.memory_space<vmem>>, vector<1x16xf32>,
        %swap3A_78 = vector.shape_cast %swap3A_77 : vector<1x16xf32> to vector<16xf32>
        %swap3A_79 = vector.shape_cast %mul3A_72 : vector<16xf32> to vector<1x16xf32>
        tpu.vector_store %arg12[%swap3A_75, %swap3A_76], %swap3A_79 {strides = array<i32>} : memref<128x16xf32, #tpu.memory_space<vmem>>, vector<1x16xf32>,
        %add3A_80 = arith.constant 3 : i32
        %add3A_81 = arith.addi %mul3A_28, %add3A_80 : i32
        %get3A_82 = arith.index_cast %add3A_81 : i32 to index
        %get3A_83 = arith.constant 0 : index
        %get3A_84 = tpu.vector_load %arg12[%get3A_82, %get3A_83] {strides = array<i32>} : memref<128x16xf32, #tpu.memory_space<vmem>>, vector<1x16xf32>,
        %get3A_85 = vector.shape_cast %get3A_84 : vector<1x16xf32> to vector<16xf32>
        %slice3A_86 = vector.extract_strided_slice %get3A_31 {offsets = [3], sizes = [1], strides = [1]} : vector<16xf32> to vector<1xf32>
        %squeeze3A_87 = vector.extract %slice3A_86[0] : f32 from vector<1xf32>
        %mul3A_88 = vector.broadcast %squeeze3A_87 : f32 to vector<16xf32>
        %mul3A_89 = arith.mulf %get3A_85, %mul3A_88 : vector<16xf32>
        %add3A_90 = arith.constant 3 : i32
        %add3A_91 = arith.addi %mul3A_28, %add3A_90 : i32
        %swap3A_92 = arith.index_cast %add3A_91 : i32 to index
        %swap3A_93 = arith.constant 0 : index
        %swap3A_94 = tpu.vector_load %arg12[%swap3A_92, %swap3A_93] {strides = array<i32>} : memref<128x16xf32, #tpu.memory_space<vmem>>, vector<1x16xf32>,
        %swap3A_95 = vector.shape_cast %swap3A_94 : vector<1x16xf32> to vector<16xf32>
        %swap3A_96 = vector.shape_cast %mul3A_89 : vector<16xf32> to vector<1x16xf32>
        tpu.vector_store %arg12[%swap3A_92, %swap3A_93], %swap3A_96 {strides = array<i32>} : memref<128x16xf32, #tpu.memory_space<vmem>>, vector<1x16xf32>,
        %add3A_97 = arith.constant 4 : i32
        %add3A_98 = arith.addi %mul3A_28, %add3A_97 : i32
        %get3A_99 = arith.index_cast %add3A_98 : i32 to index
        %get3A_100 = arith.constant 0 : index
        %get3A_101 = tpu.vector_load %arg12[%get3A_99, %get3A_100] {strides = array<i32>} : memref<128x16xf32, #tpu.memory_space<vmem>>, vector<1x16xf32>,
        %get3A_102 = vector.shape_cast %get3A_101 : vector<1x16xf32> to vector<16xf32>
        %slice3A_103 = vector.extract_strided_slice %get3A_31 {offsets = [4], sizes = [1], strides = [1]} : vector<16xf32> to vector<1xf32>
        %squeeze3A_104 = vector.extract %slice3A_103[0] : f32 from vector<1xf32>
        %mul3A_105 = vector.broadcast %squeeze3A_104 : f32 to vector<16xf32>
        %mul3A_106 = arith.mulf %get3A_102, %mul3A_105 : vector<16xf32>
        %add3A_107 = arith.constant 4 : i32
        %add3A_108 = arith.addi %mul3A_28, %add3A_107 : i32
        %swap3A_109 = arith.index_cast %add3A_108 : i32 to index
        %swap3A_110 = arith.constant 0 : index
        %swap3A_111 = tpu.vector_load %arg12[%swap3A_109, %swap3A_110] {strides = array<i32>} : memref<128x16xf32, #tpu.memory_space<vmem>>, vector<1x16xf32>,
        %swap3A_112 = vector.shape_cast %swap3A_111 : vector<1x16xf32> to vector<16xf32>
        %swap3A_113 = vector.shape_cast %mul3A_106 : vector<16xf32> to vector<1x16xf32>
        tpu.vector_store %arg12[%swap3A_109, %swap3A_110], %swap3A_113 {strides = array<i32>} : memref<128x16xf32, #tpu.memory_space<vmem>>, vector<1x16xf32>,
        %add3A_114 = arith.constant 5 : i32
        %add3A_115 = arith.addi %mul3A_28, %add3A_114 : i32
        %get3A_116 = arith.index_cast %add3A_115 : i32 to index
        %get3A_117 = arith.constant 0 : index
        %get3A_118 = tpu.vector_load %arg12[%get3A_116, %get3A_117] {strides = array<i32>} : memref<128x16xf32, #tpu.memory_space<vmem>>, vector<1x16xf32>,
        %get3A_119 = vector.shape_cast %get3A_118 : vector<1x16xf32> to vector<16xf32>
        %slice3A_120 = vector.extract_strided_slice %get3A_31 {offsets = [5], sizes = [1], strides = [1]} : vector<16xf32> to vector<1xf32>
        %squeeze3A_121 = vector.extract %slice3A_120[0] : f32 from vector<1xf32>
        %mul3A_122 = vector.broadcast %squeeze3A_121 : f32 to vector<16xf32>
        %mul3A_123 = arith.mulf %get3A_119, %mul3A_122 : vector<16xf32>
        %add3A_124 = arith.constant 5 : i32
        %add3A_125 = arith.addi %mul3A_28, %add3A_124 : i32
        %swap3A_126 = arith.index_cast %add3A_125 : i32 to index
        %swap3A_127 = arith.constant 0 : index
        %swap3A_128 = tpu.vector_load %arg12[%swap3A_126, %swap3A_127] {strides = array<i32>} : memref<128x16xf32, #tpu.memory_space<vmem>>, vector<1x16xf32>,
        %swap3A_129 = vector.shape_cast %swap3A_128 : vector<1x16xf32> to vector<16xf32>
        %swap3A_130 = vector.shape_cast %mul3A_123 : vector<16xf32> to vector<1x16xf32>
        tpu.vector_store %arg12[%swap3A_126, %swap3A_127], %swap3A_130 {strides = array<i32>} : memref<128x16xf32, #tpu.memory_space<vmem>>, vector<1x16xf32>,
        %add3A_131 = arith.constant 6 : i32
        %add3A_132 = arith.addi %mul3A_28, %add3A_131 : i32
        %get3A_133 = arith.index_cast %add3A_132 : i32 to index
        %get3A_134 = arith.constant 0 : index
        %get3A_135 = tpu.vector_load %arg12[%get3A_133, %get3A_134] {strides = array<i32>} : memref<128x16xf32, #tpu.memory_space<vmem>>, vector<1x16xf32>,
        %get3A_136 = vector.shape_cast %get3A_135 : vector<1x16xf32> to vector<16xf32>
        %slice3A_137 = vector.extract_strided_slice %get3A_31 {offsets = [6], sizes = [1], strides = [1]} : vector<16xf32> to vector<1xf32>
        %squeeze3A_138 = vector.extract %slice3A_137[0] : f32 from vector<1xf32>
        %mul3A_139 = vector.broadcast %squeeze3A_138 : f32 to vector<16xf32>
        %mul3A_140 = arith.mulf %get3A_136, %mul3A_139 : vector<16xf32>
        %add3A_141 = arith.constant 6 : i32
        %add3A_142 = arith.addi %mul3A_28, %add3A_141 : i32
        %swap3A_143 = arith.index_cast %add3A_142 : i32 to index
        %swap3A_144 = arith.constant 0 : index
        %swap3A_145 = tpu.vector_load %arg12[%swap3A_143, %swap3A_144] {strides = array<i32>} : memref<128x16xf32, #tpu.memory_space<vmem>>, vector<1x16xf32>,
        %swap3A_146 = vector.shape_cast %swap3A_145 : vector<1x16xf32> to vector<16xf32>
        %swap3A_147 = vector.shape_cast %mul3A_140 : vector<16xf32> to vector<1x16xf32>
        tpu.vector_store %arg12[%swap3A_143, %swap3A_144], %swap3A_147 {strides = array<i32>} : memref<128x16xf32, #tpu.memory_space<vmem>>, vector<1x16xf32>,
        %add3A_148 = arith.constant 7 : i32
        %add3A_149 = arith.addi %mul3A_28, %add3A_148 : i32
        %get3A_150 = arith.index_cast %add3A_149 : i32 to index
        %get3A_151 = arith.constant 0 : index
        %get3A_152 = tpu.vector_load %arg12[%get3A_150, %get3A_151] {strides = array<i32>} : memref<128x16xf32, #tpu.memory_space<vmem>>, vector<1x16xf32>,
        %get3A_153 = vector.shape_cast %get3A_152 : vector<1x16xf32> to vector<16xf32>
        %slice3A_154 = vector.extract_strided_slice %get3A_31 {offsets = [7], sizes = [1], strides = [1]} : vector<16xf32> to vector<1xf32>
        %squeeze3A_155 = vector.extract %slice3A_154[0] : f32 from vector<1xf32>
        %mul3A_156 = vector.broadcast %squeeze3A_155 : f32 to vector<16xf32>
        %mul3A_157 = arith.mulf %get3A_153, %mul3A_156 : vector<16xf32>
        %add3A_158 = arith.constant 7 : i32
        %add3A_159 = arith.addi %mul3A_28, %add3A_158 : i32
        %swap3A_160 = arith.index_cast %add3A_159 : i32 to index
        %swap3A_161 = arith.constant 0 : index
        %swap3A_162 = tpu.vector_load %arg12[%swap3A_160, %swap3A_161] {strides = array<i32>} : memref<128x16xf32, #tpu.memory_space<vmem>>, vector<1x16xf32>,
        %swap3A_163 = vector.shape_cast %swap3A_162 : vector<1x16xf32> to vector<16xf32>
        %swap3A_164 = vector.shape_cast %mul3A_157 : vector<16xf32> to vector<1x16xf32>
        tpu.vector_store %arg12[%swap3A_160, %swap3A_161], %swap3A_164 {strides = array<i32>} : memref<128x16xf32, #tpu.memory_space<vmem>>, vector<1x16xf32>,
        %add3A_165 = arith.constant 8 : i32
        %add3A_166 = arith.addi %mul3A_28, %add3A_165 : i32
        %get3A_167 = arith.index_cast %add3A_166 : i32 to index
        %get3A_168 = arith.constant 0 : index
        %get3A_169 = tpu.vector_load %arg12[%get3A_167, %get3A_168] {strides = array<i32>} : memref<128x16xf32, #tpu.memory_space<vmem>>, vector<1x16xf32>,
        %get3A_170 = vector.shape_cast %get3A_169 : vector<1x16xf32> to vector<16xf32>
        %slice3A_171 = vector.extract_strided_slice %get3A_31 {offsets = [8], sizes = [1], strides = [1]} : vector<16xf32> to vector<1xf32>
        %squeeze3A_172 = vector.extract %slice3A_171[0] : f32 from vector<1xf32>
        %mul3A_173 = vector.broadcast %squeeze3A_172 : f32 to vector<16xf32>
        %mul3A_174 = arith.mulf %get3A_170, %mul3A_173 : vector<16xf32>
        %add3A_175 = arith.constant 8 : i32
        %add3A_176 = arith.addi %mul3A_28, %add3A_175 : i32
        %swap3A_177 = arith.index_cast %add3A_176 : i32 to index
        %swap3A_178 = arith.constant 0 : index
        %swap3A_179 = tpu.vector_load %arg12[%swap3A_177, %swap3A_178] {strides = array<i32>} : memref<128x16xf32, #tpu.memory_space<vmem>>, vector<1x16xf32>,
        %swap3A_180 = vector.shape_cast %swap3A_179 : vector<1x16xf32> to vector<16xf32>
        %swap3A_181 = vector.shape_cast %mul3A_174 : vector<16xf32> to vector<1x16xf32>
        tpu.vector_store %arg12[%swap3A_177, %swap3A_178], %swap3A_181 {strides = array<i32>} : memref<128x16xf32, #tpu.memory_space<vmem>>, vector<1x16xf32>,
        %add3A_182 = arith.constant 9 : i32
        %add3A_183 = arith.addi %mul3A_28, %add3A_182 : i32
        %get3A_184 = arith.index_cast %add3A_183 : i32 to index
        %get3A_185 = arith.constant 0 : index
        %get3A_186 = tpu.vector_load %arg12[%get3A_184, %get3A_185] {strides = array<i32>} : memref<128x16xf32, #tpu.memory_space<vmem>>, vector<1x16xf32>,
        %get3A_187 = vector.shape_cast %get3A_186 : vector<1x16xf32> to vector<16xf32>
        %slice3A_188 = vector.extract_strided_slice %get3A_31 {offsets = [9], sizes = [1], strides = [1]} : vector<16xf32> to vector<1xf32>
        %squeeze3A_189 = vector.extract %slice3A_188[0] : f32 from vector<1xf32>
        %mul3A_190 = vector.broadcast %squeeze3A_189 : f32 to vector<16xf32>
        %mul3A_191 = arith.mulf %get3A_187, %mul3A_190 : vector<16xf32>
        %add3A_192 = arith.constant 9 : i32
        %add3A_193 = arith.addi %mul3A_28, %add3A_192 : i32
        %swap3A_194 = arith.index_cast %add3A_193 : i32 to index
        %swap3A_195 = arith.constant 0 : index
        %swap3A_196 = tpu.vector_load %arg12[%swap3A_194, %swap3A_195] {strides = array<i32>} : memref<128x16xf32, #tpu.memory_space<vmem>>, vector<1x16xf32>,
        %swap3A_197 = vector.shape_cast %swap3A_196 : vector<1x16xf32> to vector<16xf32>
        %swap3A_198 = vector.shape_cast %mul3A_191 : vector<16xf32> to vector<1x16xf32>
        tpu.vector_store %arg12[%swap3A_194, %swap3A_195], %swap3A_198 {strides = array<i32>} : memref<128x16xf32, #tpu.memory_space<vmem>>, vector<1x16xf32>,
        %add3A_199 = arith.constant 10 : i32
        %add3A_200 = arith.addi %mul3A_28, %add3A_199 : i32
        %get3A_201 = arith.index_cast %add3A_200 : i32 to index
        %get3A_202 = arith.constant 0 : index
        %get3A_203 = tpu.vector_load %arg12[%get3A_201, %get3A_202] {strides = array<i32>} : memref<128x16xf32, #tpu.memory_space<vmem>>, vector<1x16xf32>,
        %get3A_204 = vector.shape_cast %get3A_203 : vector<1x16xf32> to vector<16xf32>
        %slice3A_205 = vector.extract_strided_slice %get3A_31 {offsets = [10], sizes = [1], strides = [1]} : vector<16xf32> to vector<1xf32>
        %squeeze3A_206 = vector.extract %slice3A_205[0] : f32 from vector<1xf32>
        %mul3A_207 = vector.broadcast %squeeze3A_206 : f32 to vector<16xf32>
        %mul3A_208 = arith.mulf %get3A_204, %mul3A_207 : vector<16xf32>
        %add3A_209 = arith.constant 10 : i32
        %add3A_210 = arith.addi %mul3A_28, %add3A_209 : i32
        %swap3A_211 = arith.index_cast %add3A_210 : i32 to index
        %swap3A_212 = arith.constant 0 : index
        %swap3A_213 = tpu.vector_load %arg12[%swap3A_211, %swap3A_212] {strides = array<i32>} : memref<128x16xf32, #tpu.memory_space<vmem>>, vector<1x16xf32>,
        %swap3A_214 = vector.shape_cast %swap3A_213 : vector<1x16xf32> to vector<16xf32>
        %swap3A_215 = vector.shape_cast %mul3A_208 : vector<16xf32> to vector<1x16xf32>
        tpu.vector_store %arg12[%swap3A_211, %swap3A_212], %swap3A_215 {strides = array<i32>} : memref<128x16xf32, #tpu.memory_space<vmem>>, vector<1x16xf32>,
        %add3A_216 = arith.constant 11 : i32
        %add3A_217 = arith.addi %mul3A_28, %add3A_216 : i32
        %get3A_218 = arith.index_cast %add3A_217 : i32 to index
        %get3A_219 = arith.constant 0 : index
        %get3A_220 = tpu.vector_load %arg12[%get3A_218, %get3A_219] {strides = array<i32>} : memref<128x16xf32, #tpu.memory_space<vmem>>, vector<1x16xf32>,
        %get3A_221 = vector.shape_cast %get3A_220 : vector<1x16xf32> to vector<16xf32>
        %slice3A_222 = vector.extract_strided_slice %get3A_31 {offsets = [11], sizes = [1], strides = [1]} : vector<16xf32> to vector<1xf32>
        %squeeze3A_223 = vector.extract %slice3A_222[0] : f32 from vector<1xf32>
        %mul3A_224 = vector.broadcast %squeeze3A_223 : f32 to vector<16xf32>
        %mul3A_225 = arith.mulf %get3A_221, %mul3A_224 : vector<16xf32>
        %add3A_226 = arith.constant 11 : i32
        %add3A_227 = arith.addi %mul3A_28, %add3A_226 : i32
        %swap3A_228 = arith.index_cast %add3A_227 : i32 to index
        %swap3A_229 = arith.constant 0 : index
        %swap3A_230 = tpu.vector_load %arg12[%swap3A_228, %swap3A_229] {strides = array<i32>} : memref<128x16xf32, #tpu.memory_space<vmem>>, vector<1x16xf32>,
        %swap3A_231 = vector.shape_cast %swap3A_230 : vector<1x16xf32> to vector<16xf32>
        %swap3A_232 = vector.shape_cast %mul3A_225 : vector<16xf32> to vector<1x16xf32>
        tpu.vector_store %arg12[%swap3A_228, %swap3A_229], %swap3A_232 {strides = array<i32>} : memref<128x16xf32, #tpu.memory_space<vmem>>, vector<1x16xf32>,
        %add3A_233 = arith.constant 12 : i32
        %add3A_234 = arith.addi %mul3A_28, %add3A_233 : i32
        %get3A_235 = arith.index_cast %add3A_234 : i32 to index
        %get3A_236 = arith.constant 0 : index
        %get3A_237 = tpu.vector_load %arg12[%get3A_235, %get3A_236] {strides = array<i32>} : memref<128x16xf32, #tpu.memory_space<vmem>>, vector<1x16xf32>,
        %get3A_238 = vector.shape_cast %get3A_237 : vector<1x16xf32> to vector<16xf32>
        %slice3A_239 = vector.extract_strided_slice %get3A_31 {offsets = [12], sizes = [1], strides = [1]} : vector<16xf32> to vector<1xf32>
        %squeeze3A_240 = vector.extract %slice3A_239[0] : f32 from vector<1xf32>
        %mul3A_241 = vector.broadcast %squeeze3A_240 : f32 to vector<16xf32>
        %mul3A_242 = arith.mulf %get3A_238, %mul3A_241 : vector<16xf32>
        %add3A_243 = arith.constant 12 : i32
        %add3A_244 = arith.addi %mul3A_28, %add3A_243 : i32
        %swap3A_245 = arith.index_cast %add3A_244 : i32 to index
        %swap3A_246 = arith.constant 0 : index
        %swap3A_247 = tpu.vector_load %arg12[%swap3A_245, %swap3A_246] {strides = array<i32>} : memref<128x16xf32, #tpu.memory_space<vmem>>, vector<1x16xf32>,
        %swap3A_248 = vector.shape_cast %swap3A_247 : vector<1x16xf32> to vector<16xf32>
        %swap3A_249 = vector.shape_cast %mul3A_242 : vector<16xf32> to vector<1x16xf32>
        tpu.vector_store %arg12[%swap3A_245, %swap3A_246], %swap3A_249 {strides = array<i32>} : memref<128x16xf32, #tpu.memory_space<vmem>>, vector<1x16xf32>,
        %add3A_250 = arith.constant 13 : i32
        %add3A_251 = arith.addi %mul3A_28, %add3A_250 : i32
        %get3A_252 = arith.index_cast %add3A_251 : i32 to index
        %get3A_253 = arith.constant 0 : index
        %get3A_254 = tpu.vector_load %arg12[%get3A_252, %get3A_253] {strides = array<i32>} : memref<128x16xf32, #tpu.memory_space<vmem>>, vector<1x16xf32>,
        %get3A_255 = vector.shape_cast %get3A_254 : vector<1x16xf32> to vector<16xf32>
        %slice3A_256 = vector.extract_strided_slice %get3A_31 {offsets = [13], sizes = [1], strides = [1]} : vector<16xf32> to vector<1xf32>
        %squeeze3A_257 = vector.extract %slice3A_256[0] : f32 from vector<1xf32>
        %mul3A_258 = vector.broadcast %squeeze3A_257 : f32 to vector<16xf32>
        %mul3A_259 = arith.mulf %get3A_255, %mul3A_258 : vector<16xf32>
        %add3A_260 = arith.constant 13 : i32
        %add3A_261 = arith.addi %mul3A_28, %add3A_260 : i32
        %swap3A_262 = arith.index_cast %add3A_261 : i32 to index
        %swap3A_263 = arith.constant 0 : index
        %swap3A_264 = tpu.vector_load %arg12[%swap3A_262, %swap3A_263] {strides = array<i32>} : memref<128x16xf32, #tpu.memory_space<vmem>>, vector<1x16xf32>,
        %swap3A_265 = vector.shape_cast %swap3A_264 : vector<1x16xf32> to vector<16xf32>
        %swap3A_266 = vector.shape_cast %mul3A_259 : vector<16xf32> to vector<1x16xf32>
        tpu.vector_store %arg12[%swap3A_262, %swap3A_263], %swap3A_266 {strides = array<i32>} : memref<128x16xf32, #tpu.memory_space<vmem>>, vector<1x16xf32>,
        %add3A_267 = arith.constant 14 : i32
        %add3A_268 = arith.addi %mul3A_28, %add3A_267 : i32
        %get3A_269 = arith.index_cast %add3A_268 : i32 to index
        %get3A_270 = arith.constant 0 : index
        %get3A_271 = tpu.vector_load %arg12[%get3A_269, %get3A_270] {strides = array<i32>} : memref<128x16xf32, #tpu.memory_space<vmem>>, vector<1x16xf32>,
        %get3A_272 = vector.shape_cast %get3A_271 : vector<1x16xf32> to vector<16xf32>
        %slice3A_273 = vector.extract_strided_slice %get3A_31 {offsets = [14], sizes = [1], strides = [1]} : vector<16xf32> to vector<1xf32>
        %squeeze3A_274 = vector.extract %slice3A_273[0] : f32 from vector<1xf32>
        %mul3A_275 = vector.broadcast %squeeze3A_274 : f32 to vector<16xf32>
        %mul3A_276 = arith.mulf %get3A_272, %mul3A_275 : vector<16xf32>
        %add3A_277 = arith.constant 14 : i32
        %add3A_278 = arith.addi %mul3A_28, %add3A_277 : i32
        %swap3A_279 = arith.index_cast %add3A_278 : i32 to index
        %swap3A_280 = arith.constant 0 : index
        %swap3A_281 = tpu.vector_load %arg12[%swap3A_279, %swap3A_280] {strides = array<i32>} : memref<128x16xf32, #tpu.memory_space<vmem>>, vector<1x16xf32>,
        %swap3A_282 = vector.shape_cast %swap3A_281 : vector<1x16xf32> to vector<16xf32>
        %swap3A_283 = vector.shape_cast %mul3A_276 : vector<16xf32> to vector<1x16xf32>
        tpu.vector_store %arg12[%swap3A_279, %swap3A_280], %swap3A_283 {strides = array<i32>} : memref<128x16xf32, #tpu.memory_space<vmem>>, vector<1x16xf32>,
        %add3A_284 = arith.constant 15 : i32
        %add3A_285 = arith.addi %mul3A_28, %add3A_284 : i32
        %get3A_286 = arith.index_cast %add3A_285 : i32 to index
        %get3A_287 = arith.constant 0 : index
        %get3A_288 = tpu.vector_load %arg12[%get3A_286, %get3A_287] {strides = array<i32>} : memref<128x16xf32, #tpu.memory_space<vmem>>, vector<1x16xf32>,
        %get3A_289 = vector.shape_cast %get3A_288 : vector<1x16xf32> to vector<16xf32>
        %slice3A_290 = vector.extract_strided_slice %get3A_31 {offsets = [15], sizes = [1], strides = [1]} : vector<16xf32> to vector<1xf32>
        %squeeze3A_291 = vector.extract %slice3A_290[0] : f32 from vector<1xf32>
        %mul3A_292 = vector.broadcast %squeeze3A_291 : f32 to vector<16xf32>
        %mul3A_293 = arith.mulf %get3A_289, %mul3A_292 : vector<16xf32>
        %add3A_294 = arith.constant 15 : i32
        %add3A_295 = arith.addi %mul3A_28, %add3A_294 : i32
        %swap3A_296 = arith.index_cast %add3A_295 : i32 to index
        %swap3A_297 = arith.constant 0 : index
        %swap3A_298 = tpu.vector_load %arg12[%swap3A_296, %swap3A_297] {strides = array<i32>} : memref<128x16xf32, #tpu.memory_space<vmem>>, vector<1x16xf32>,
        %swap3A_299 = vector.shape_cast %swap3A_298 : vector<1x16xf32> to vector<16xf32>
        %swap3A_300 = vector.shape_cast %mul3A_293 : vector<16xf32> to vector<1x16xf32>
        tpu.vector_store %arg12[%swap3A_296, %swap3A_297], %swap3A_300 {strides = array<i32>} : memref<128x16xf32, #tpu.memory_space<vmem>>, vector<1x16xf32>,
      }
      %scan3A_25 = arith.constant 8 : i32
      "tpu.region"() ({
        %run_scoped3A = tpu.sem_alloc : memref<!tpu.dma_semaphore, #tpu.memory_space<semaphore_mem>>
        %dma_start3A_26 = arith.constant 0 : i32
        %dma_start3A_27 = tpu.memref_slice %arg10[%scan3A_9, %dma_start3A_26] : memref<79x128xi32, #tpu.memory_space<vmem>> -> memref<1x128xi32, #tpu.memory_space<vmem>>
        %dma_start3A_28 = tpu.memref_squeeze %dma_start3A_27 : memref<1x128xi32, #tpu.memory_space<vmem>> -> memref<128xi32, #tpu.memory_space<vmem>>
        %dma_start3A_29 = arith.constant 0 : i32
        %dma_start3A_30 = arith.constant 0 : i32
        %dma_start3A_31 = tpu.memref_slice %arg8[%dma_start3A_29, %dma_start3A_30] : memref<10240x16xf32, #tpu.memory_space<vmem_shared>> -> memref<10240x16xf32, #tpu.memory_space<vmem_shared>>
        tpu.enqueue_indirect_dma source(%arg12 : memref<128x16xf32, #tpu.memory_space<vmem>>) target(%dma_start3A_31 : memref<10240x16xf32, #tpu.memory_space<vmem_shared>>) offsets(%dma_start3A_28 : memref<128xi32, #tpu.memory_space<vmem>>) semaphore(%run_scoped3A : memref<!tpu.dma_semaphore, #tpu.memory_space<semaphore_mem>>) {add = true}
        %dma_wait3A_32 = arith.constant 0 : i32
        %dma_wait3A_33 = tpu.memref_slice %arg10[%scan3A_9, %dma_wait3A_32] : memref<79x128xi32, #tpu.memory_space<vmem>> -> memref<1x128xi32, #tpu.memory_space<vmem>>
        %dma_wait3A_34 = tpu.memref_squeeze %dma_wait3A_33 : memref<1x128xi32, #tpu.memory_space<vmem>> -> memref<128xi32, #tpu.memory_space<vmem>>
        %dma_wait3A_35 = arith.constant 0 : i32
        %dma_wait3A_36 = arith.constant 0 : i32
        %dma_wait3A_37 = tpu.memref_slice %arg8[%dma_wait3A_35, %dma_wait3A_36] : memref<10240x16xf32, #tpu.memory_space<vmem_shared>> -> memref<10240x16xf32, #tpu.memory_space<vmem_shared>>
        tpu.wait_indirect_dma semaphore(%run_scoped3A : memref<!tpu.dma_semaphore, #tpu.memory_space<semaphore_mem>>) src(%arg12 : memref<128x16xf32, #tpu.memory_space<vmem>>) dst(%dma_wait3A_37 : memref<10240x16xf32, #tpu.memory_space<vmem_shared>>)
        tpu.yield
      }) : () -> ()
    }
    %scan3A_7 = arith.constant 79 : i32
    %barrier3A_8 = arith.constant 0 : index
    tpu.barrier barrier_id(%barrier3A_8)
    "tpu.region"() ({
      %run_scoped3A = tpu.sem_alloc : memref<!tpu.dma_semaphore, #tpu.memory_space<semaphore_mem>>
      %dma_start3A = arith.constant 0 : i32
      %dma_start3A_9 = arith.constant 0 : i32
      %dma_start3A_10 = tpu.memref_slice %arg7[%arg0, %arg1, %dma_start3A, %dma_start3A_9] : memref<2x16x640x16xf32, #tpu.memory_space<hbm>> -> memref<1x1x640x16xf32, #tpu.memory_space<hbm>>
      %dma_start3A_11 = tpu.memref_squeeze %dma_start3A_10 : memref<1x1x640x16xf32, #tpu.memory_space<hbm>> -> memref<640x16xf32, #tpu.memory_space<hbm>>
      %dma_start3A_12 = arith.constant 0 : i32
      %dma_start3A_13 = tpu.memref_slice %arg8[%multiple_of3A, %dma_start3A_12] : memref<10240x16xf32, #tpu.memory_space<vmem_shared>> -> memref<640x16xf32, #tpu.memory_space<vmem_shared>>
      tpu.enqueue_dma source(%dma_start3A_13 : memref<640x16xf32, #tpu.memory_space<vmem_shared>>) target(%dma_start3A_11 : memref<640x16xf32, #tpu.memory_space<hbm>>) target_semaphore(%run_scoped3A : memref<!tpu.dma_semaphore, #tpu.memory_space<semaphore_mem>>)
      %dma_wait3A = arith.constant 0 : i32
      %dma_wait3A_14 = arith.constant 0 : i32
      %dma_wait3A_15 = tpu.memref_slice %arg7[%arg0, %arg1, %dma_wait3A, %dma_wait3A_14] : memref<2x16x640x16xf32, #tpu.memory_space<hbm>> -> memref<1x1x640x16xf32, #tpu.memory_space<hbm>>
      %dma_wait3A_16 = tpu.memref_squeeze %dma_wait3A_15 : memref<1x1x640x16xf32, #tpu.memory_space<hbm>> -> memref<640x16xf32, #tpu.memory_space<hbm>>
      %dma_wait3A_17 = arith.constant 0 : i32
      %dma_wait3A_18 = tpu.memref_slice %arg8[%multiple_of3A, %dma_wait3A_17] : memref<10240x16xf32, #tpu.memory_space<vmem_shared>> -> memref<640x16xf32, #tpu.memory_space<vmem_shared>>
      tpu.wait_dma2 semaphore(%run_scoped3A : memref<!tpu.dma_semaphore, #tpu.memory_space<semaphore_mem>>) src(%dma_wait3A_18 : memref<640x16xf32, #tpu.memory_space<vmem_shared>>) dst(%dma_wait3A_16 : memref<640x16xf32, #tpu.memory_space<hbm>>)
      tpu.yield
    }) : () -> ()
    return
  }
}

#map = affine_map<(d0, d1) -> (0, 0, 0)>
#map1 = affine_map<(d0, d1) -> (0, 0)>
#map2 = affine_map<(d0, d1) -> (0, 0, 0, 0)>
module attributes {stable_mosaic.version = 14 : i64} {
  func.func @_sc_aggregate(%arg0: i32, %arg1: i32, %arg2: memref<32x79x128xi32, #tpu.memory_space<hbm>>, %arg3: memref<32x79x128xi32, #tpu.memory_space<hbm>>, %arg4: memref<32x79x128xf32, #tpu.memory_space<hbm>>, %arg5: memref<10240x16xf32, #tpu.memory_space<hbm>>, %arg6: memref<16x640x16xf32, #tpu.memory_space<hbm>>, %arg7: memref<2x16x640x16xf32, #tpu.memory_space<hbm>>, %arg8: memref<10240x16xf32, #tpu.memory_space<vmem_shared>>, %arg9: memref<79x128xi32, #tpu.memory_space<vmem>>, %arg10: memref<79x128xi32, #tpu.memory_space<vmem>>, %arg11: memref<79x128xf32, #tpu.memory_space<vmem>>, %arg12: memref<128x16xf32, #tpu.memory_space<vmem>>, %arg13: memref<!tpu.dma_semaphore, #tpu.memory_space<semaphore_mem>>) attributes {dimension_semantics = [#tpu.dimension_semantics<core_parallel>, #tpu.dimension_semantics<subcore_parallel>], iteration_bounds = array<i64: 2, 16>, scalar_prefetch = 0 : i64, scratch_operands = 6 : i64, tpu.core_type = #tpu.core_type<sc_vector_subcore>, window_params = [{transform_indices = #map}, {transform_indices = #map}, {transform_indices = #map}, {transform_indices = #map1}, {transform_indices = #map}, {transform_indices = #map2}]} {
    %mul3A = arith.constant 16 : i32
    %mul3A_0 = arith.muli %arg0, %mul3A : i32
    %add3A = arith.addi %mul3A_0, %arg1 : i32
    %mul3A_1 = arith.constant 640 : i32
    %mul3A_2 = arith.muli %arg1, %mul3A_1 : i32
    %multiple_of3A = tpu.assume_multiple %mul3A_2, 8 : i32
    "tpu.region"() ({
      %run_scoped3A = tpu.sem_alloc : memref<!tpu.dma_semaphore, #tpu.memory_space<semaphore_mem>>
      %dma_start3A = arith.constant 0 : i32
      %dma_start3A_9 = tpu.memref_slice %arg8[%multiple_of3A, %dma_start3A] : memref<10240x16xf32, #tpu.memory_space<vmem_shared>> -> memref<640x16xf32, #tpu.memory_space<vmem_shared>>
      %dma_start3A_10 = arith.constant 0 : i32
      %dma_start3A_11 = arith.constant 0 : i32
      %dma_start3A_12 = tpu.memref_slice %arg6[%arg1, %dma_start3A_10, %dma_start3A_11] : memref<16x640x16xf32, #tpu.memory_space<hbm>> -> memref<1x640x16xf32, #tpu.memory_space<hbm>>
      %dma_start3A_13 = tpu.memref_squeeze %dma_start3A_12 : memref<1x640x16xf32, #tpu.memory_space<hbm>> -> memref<640x16xf32, #tpu.memory_space<hbm>>
      tpu.enqueue_dma source(%dma_start3A_13 : memref<640x16xf32, #tpu.memory_space<hbm>>) target(%dma_start3A_9 : memref<640x16xf32, #tpu.memory_space<vmem_shared>>) target_semaphore(%run_scoped3A : memref<!tpu.dma_semaphore, #tpu.memory_space<semaphore_mem>>)
      %dma_wait3A = arith.constant 0 : i32
      %dma_wait3A_14 = tpu.memref_slice %arg8[%multiple_of3A, %dma_wait3A] : memref<10240x16xf32, #tpu.memory_space<vmem_shared>> -> memref<640x16xf32, #tpu.memory_space<vmem_shared>>
      %dma_wait3A_15 = arith.constant 0 : i32
      %dma_wait3A_16 = arith.constant 0 : i32
      %dma_wait3A_17 = tpu.memref_slice %arg6[%arg1, %dma_wait3A_15, %dma_wait3A_16] : memref<16x640x16xf32, #tpu.memory_space<hbm>> -> memref<1x640x16xf32, #tpu.memory_space<hbm>>
      %dma_wait3A_18 = tpu.memref_squeeze %dma_wait3A_17 : memref<1x640x16xf32, #tpu.memory_space<hbm>> -> memref<640x16xf32, #tpu.memory_space<hbm>>
      tpu.wait_dma2 semaphore(%run_scoped3A : memref<!tpu.dma_semaphore, #tpu.memory_space<semaphore_mem>>) src(%dma_wait3A_18 : memref<640x16xf32, #tpu.memory_space<hbm>>) dst(%dma_wait3A_14 : memref<640x16xf32, #tpu.memory_space<vmem_shared>>)
      tpu.yield
    }) : () -> ()
    %barrier3A = arith.constant 0 : index
    tpu.barrier barrier_id(%barrier3A)
    "tpu.region"() ({
      %run_scoped3A = tpu.sem_alloc : memref<!tpu.dma_semaphore, #tpu.memory_space<semaphore_mem>>
      %dma_start3A = arith.constant 0 : i32
      %dma_start3A_9 = arith.constant 0 : i32
      %dma_start3A_10 = tpu.memref_slice %arg2[%add3A, %dma_start3A, %dma_start3A_9] : memref<32x79x128xi32, #tpu.memory_space<hbm>> -> memref<1x79x128xi32, #tpu.memory_space<hbm>>
      %dma_start3A_11 = tpu.memref_squeeze %dma_start3A_10 : memref<1x79x128xi32, #tpu.memory_space<hbm>> -> memref<79x128xi32, #tpu.memory_space<hbm>>
      %dma_start3A_12 = arith.constant 0 : i32
      %dma_start3A_13 = arith.constant 0 : i32
      %dma_start3A_14 = tpu.memref_slice %arg2[%add3A, %dma_start3A_12, %dma_start3A_13] : memref<32x79x128xi32, #tpu.memory_space<hbm>> -> memref<1x79x128xi32, #tpu.memory_space<hbm>>
      %dma_start3A_15 = tpu.memref_squeeze %dma_start3A_14 : memref<1x79x128xi32, #tpu.memory_space<hbm>> -> memref<79x128xi32, #tpu.memory_space<hbm>>
      tpu.enqueue_dma source(%dma_start3A_15 : memref<79x128xi32, #tpu.memory_space<hbm>>) target(%arg9 : memref<79x128xi32, #tpu.memory_space<vmem>>) target_semaphore(%run_scoped3A : memref<!tpu.dma_semaphore, #tpu.memory_space<semaphore_mem>>)
      %dma_wait3A = arith.constant 0 : i32
      %dma_wait3A_16 = arith.constant 0 : i32
      %dma_wait3A_17 = tpu.memref_slice %arg2[%add3A, %dma_wait3A, %dma_wait3A_16] : memref<32x79x128xi32, #tpu.memory_space<hbm>> -> memref<1x79x128xi32, #tpu.memory_space<hbm>>
      %dma_wait3A_18 = tpu.memref_squeeze %dma_wait3A_17 : memref<1x79x128xi32, #tpu.memory_space<hbm>> -> memref<79x128xi32, #tpu.memory_space<hbm>>
      %dma_wait3A_19 = arith.constant 0 : i32
      %dma_wait3A_20 = arith.constant 0 : i32
      %dma_wait3A_21 = tpu.memref_slice %arg2[%add3A, %dma_wait3A_19, %dma_wait3A_20] : memref<32x79x128xi32, #tpu.memory_space<hbm>> -> memref<1x79x128xi32, #tpu.memory_space<hbm>>
      %dma_wait3A_22 = tpu.memref_squeeze %dma_wait3A_21 : memref<1x79x128xi32, #tpu.memory_space<hbm>> -> memref<79x128xi32, #tpu.memory_space<hbm>>
      tpu.wait_dma2 semaphore(%run_scoped3A : memref<!tpu.dma_semaphore, #tpu.memory_space<semaphore_mem>>) src(%dma_wait3A_22 : memref<79x128xi32, #tpu.memory_space<hbm>>) dst(%arg9 : memref<79x128xi32, #tpu.memory_space<vmem>>)
      tpu.yield
    }) : () -> ()
    "tpu.region"() ({
      %run_scoped3A = tpu.sem_alloc : memref<!tpu.dma_semaphore, #tpu.memory_space<semaphore_mem>>
      %dma_start3A = arith.constant 0 : i32
      %dma_start3A_9 = arith.constant 0 : i32
      %dma_start3A_10 = tpu.memref_slice %arg3[%add3A, %dma_start3A, %dma_start3A_9] : memref<32x79x128xi32, #tpu.memory_space<hbm>> -> memref<1x79x128xi32, #tpu.memory_space<hbm>>
      %dma_start3A_11 = tpu.memref_squeeze %dma_start3A_10 : memref<1x79x128xi32, #tpu.memory_space<hbm>> -> memref<79x128xi32, #tpu.memory_space<hbm>>
      %dma_start3A_12 = arith.constant 0 : i32
      %dma_start3A_13 = arith.constant 0 : i32
      %dma_start3A_14 = tpu.memref_slice %arg3[%add3A, %dma_start3A_12, %dma_start3A_13] : memref<32x79x128xi32, #tpu.memory_space<hbm>> -> memref<1x79x128xi32, #tpu.memory_space<hbm>>
      %dma_start3A_15 = tpu.memref_squeeze %dma_start3A_14 : memref<1x79x128xi32, #tpu.memory_space<hbm>> -> memref<79x128xi32, #tpu.memory_space<hbm>>
      tpu.enqueue_dma source(%dma_start3A_15 : memref<79x128xi32, #tpu.memory_space<hbm>>) target(%arg10 : memref<79x128xi32, #tpu.memory_space<vmem>>) target_semaphore(%run_scoped3A : memref<!tpu.dma_semaphore, #tpu.memory_space<semaphore_mem>>)
      %dma_wait3A = arith.constant 0 : i32
      %dma_wait3A_16 = arith.constant 0 : i32
      %dma_wait3A_17 = tpu.memref_slice %arg3[%add3A, %dma_wait3A, %dma_wait3A_16] : memref<32x79x128xi32, #tpu.memory_space<hbm>> -> memref<1x79x128xi32, #tpu.memory_space<hbm>>
      %dma_wait3A_18 = tpu.memref_squeeze %dma_wait3A_17 : memref<1x79x128xi32, #tpu.memory_space<hbm>> -> memref<79x128xi32, #tpu.memory_space<hbm>>
      %dma_wait3A_19 = arith.constant 0 : i32
      %dma_wait3A_20 = arith.constant 0 : i32
      %dma_wait3A_21 = tpu.memref_slice %arg3[%add3A, %dma_wait3A_19, %dma_wait3A_20] : memref<32x79x128xi32, #tpu.memory_space<hbm>> -> memref<1x79x128xi32, #tpu.memory_space<hbm>>
      %dma_wait3A_22 = tpu.memref_squeeze %dma_wait3A_21 : memref<1x79x128xi32, #tpu.memory_space<hbm>> -> memref<79x128xi32, #tpu.memory_space<hbm>>
      tpu.wait_dma2 semaphore(%run_scoped3A : memref<!tpu.dma_semaphore, #tpu.memory_space<semaphore_mem>>) src(%dma_wait3A_22 : memref<79x128xi32, #tpu.memory_space<hbm>>) dst(%arg10 : memref<79x128xi32, #tpu.memory_space<vmem>>)
      tpu.yield
    }) : () -> ()
    "tpu.region"() ({
      %run_scoped3A = tpu.sem_alloc : memref<!tpu.dma_semaphore, #tpu.memory_space<semaphore_mem>>
      %dma_start3A = arith.constant 0 : i32
      %dma_start3A_9 = arith.constant 0 : i32
      %dma_start3A_10 = tpu.memref_slice %arg4[%add3A, %dma_start3A, %dma_start3A_9] : memref<32x79x128xf32, #tpu.memory_space<hbm>> -> memref<1x79x128xf32, #tpu.memory_space<hbm>>
      %dma_start3A_11 = tpu.memref_squeeze %dma_start3A_10 : memref<1x79x128xf32, #tpu.memory_space<hbm>> -> memref<79x128xf32, #tpu.memory_space<hbm>>
      %dma_start3A_12 = arith.constant 0 : i32
      %dma_start3A_13 = arith.constant 0 : i32
      %dma_start3A_14 = tpu.memref_slice %arg4[%add3A, %dma_start3A_12, %dma_start3A_13] : memref<32x79x128xf32, #tpu.memory_space<hbm>> -> memref<1x79x128xf32, #tpu.memory_space<hbm>>
      %dma_start3A_15 = tpu.memref_squeeze %dma_start3A_14 : memref<1x79x128xf32, #tpu.memory_space<hbm>> -> memref<79x128xf32, #tpu.memory_space<hbm>>
      tpu.enqueue_dma source(%dma_start3A_15 : memref<79x128xf32, #tpu.memory_space<hbm>>) target(%arg11 : memref<79x128xf32, #tpu.memory_space<vmem>>) target_semaphore(%run_scoped3A : memref<!tpu.dma_semaphore, #tpu.memory_space<semaphore_mem>>)
      %dma_wait3A = arith.constant 0 : i32
      %dma_wait3A_16 = arith.constant 0 : i32
      %dma_wait3A_17 = tpu.memref_slice %arg4[%add3A, %dma_wait3A, %dma_wait3A_16] : memref<32x79x128xf32, #tpu.memory_space<hbm>> -> memref<1x79x128xf32, #tpu.memory_space<hbm>>
      %dma_wait3A_18 = tpu.memref_squeeze %dma_wait3A_17 : memref<1x79x128xf32, #tpu.memory_space<hbm>> -> memref<79x128xf32, #tpu.memory_space<hbm>>
      %dma_wait3A_19 = arith.constant 0 : i32
      %dma_wait3A_20 = arith.constant 0 : i32
      %dma_wait3A_21 = tpu.memref_slice %arg4[%add3A, %dma_wait3A_19, %dma_wait3A_20] : memref<32x79x128xf32, #tpu.memory_space<hbm>> -> memref<1x79x128xf32, #tpu.memory_space<hbm>>
      %dma_wait3A_22 = tpu.memref_squeeze %dma_wait3A_21 : memref<1x79x128xf32, #tpu.memory_space<hbm>> -> memref<79x128xf32, #tpu.memory_space<hbm>>
      tpu.wait_dma2 semaphore(%run_scoped3A : memref<!tpu.dma_semaphore, #tpu.memory_space<semaphore_mem>>) src(%dma_wait3A_22 : memref<79x128xf32, #tpu.memory_space<hbm>>) dst(%arg11 : memref<79x128xf32, #tpu.memory_space<vmem>>)
      tpu.yield
    }) : () -> ()
    %scan3A = arith.constant 0 : i32
    %scan3A_3 = arith.constant 0 : i32
    %scan3A_4 = arith.constant 79 : i32
    %scan3A_5 = arith.addi %scan3A_3, %scan3A_4 : i32
    %scan3A_6 = arith.constant 1 : i32
    scf.for %scan3A_9 = %scan3A_3 to %scan3A_5 step %scan3A_6  : i32 {
      %dma_start3A = arith.constant 0 : i32
      %dma_start3A_10 = tpu.memref_slice %arg9[%scan3A_9, %dma_start3A] : memref<79x128xi32, #tpu.memory_space<vmem>> -> memref<1x128xi32, #tpu.memory_space<vmem>>
      %dma_start3A_11 = tpu.memref_squeeze %dma_start3A_10 : memref<1x128xi32, #tpu.memory_space<vmem>> -> memref<128xi32, #tpu.memory_space<vmem>>
      %dma_start3A_12 = arith.constant 0 : i32
      %dma_start3A_13 = arith.constant 0 : i32
      %dma_start3A_14 = tpu.memref_slice %arg5[%dma_start3A_12, %dma_start3A_13] : memref<10240x16xf32, #tpu.memory_space<hbm>> -> memref<10240x16xf32, #tpu.memory_space<hbm>>
      tpu.enqueue_indirect_dma source(%dma_start3A_14 : memref<10240x16xf32, #tpu.memory_space<hbm>>) target(%arg12 : memref<128x16xf32, #tpu.memory_space<vmem>>) offsets(%dma_start3A_11 : memref<128xi32, #tpu.memory_space<vmem>>) semaphore(%arg13 : memref<!tpu.dma_semaphore, #tpu.memory_space<semaphore_mem>>)
      %dma_wait3A = arith.constant 0 : i32
      %dma_wait3A_15 = tpu.memref_slice %arg9[%scan3A_9, %dma_wait3A] : memref<79x128xi32, #tpu.memory_space<vmem>> -> memref<1x128xi32, #tpu.memory_space<vmem>>
      %dma_wait3A_16 = tpu.memref_squeeze %dma_wait3A_15 : memref<1x128xi32, #tpu.memory_space<vmem>> -> memref<128xi32, #tpu.memory_space<vmem>>
      %dma_wait3A_17 = arith.constant 0 : i32
      %dma_wait3A_18 = arith.constant 0 : i32
      %dma_wait3A_19 = tpu.memref_slice %arg5[%dma_wait3A_17, %dma_wait3A_18] : memref<10240x16xf32, #tpu.memory_space<hbm>> -> memref<10240x16xf32, #tpu.memory_space<hbm>>
      tpu.wait_indirect_dma semaphore(%arg13 : memref<!tpu.dma_semaphore, #tpu.memory_space<semaphore_mem>>) src(%dma_wait3A_19 : memref<10240x16xf32, #tpu.memory_space<hbm>>) dst(%arg12 : memref<128x16xf32, #tpu.memory_space<vmem>>)
      %scan3A_20 = arith.constant 0 : i32
      %scan3A_21 = arith.constant 0 : i32
      %scan3A_22 = arith.constant 8 : i32
      %scan3A_23 = arith.addi %scan3A_21, %scan3A_22 : i32
      %scan3A_24 = arith.constant 1 : i32
      scf.for %scan3A_26 = %scan3A_21 to %scan3A_23 step %scan3A_24  : i32 {
        %mul3A_27 = arith.constant 16 : i32
        %mul3A_28 = arith.muli %scan3A_26, %mul3A_27 : i32
        %get3A = arith.index_cast %scan3A_9 : i32 to index
        %get3A_29 = arith.index_cast %mul3A_28 : i32 to index
        %get3A_30 = tpu.vector_load %arg11[%get3A, %get3A_29] {strides = array<i32>} : memref<79x128xf32, #tpu.memory_space<vmem>>, vector<1x16xf32>,
        %get3A_31 = vector.shape_cast %get3A_30 : vector<1x16xf32> to vector<16xf32>
        %add3A_32 = arith.constant 0 : i32
        %add3A_33 = arith.addi %mul3A_28, %add3A_32 : i32
        %get3A_34 = arith.index_cast %add3A_33 : i32 to index
        %get3A_35 = arith.constant 0 : index
        %get3A_36 = tpu.vector_load %arg12[%get3A_34, %get3A_35] {strides = array<i32>} : memref<128x16xf32, #tpu.memory_space<vmem>>, vector<1x16xf32>,
        %get3A_37 = vector.shape_cast %get3A_36 : vector<1x16xf32> to vector<16xf32>
        %slice3A = vector.extract_strided_slice %get3A_31 {offsets = [0], sizes = [1], strides = [1]} : vector<16xf32> to vector<1xf32>
        %squeeze3A = vector.extract %slice3A[0] : f32 from vector<1xf32>
        %mul3A_38 = vector.broadcast %squeeze3A : f32 to vector<16xf32>
        %mul3A_39 = arith.mulf %get3A_37, %mul3A_38 : vector<16xf32>
        %add3A_40 = arith.constant 0 : i32
        %add3A_41 = arith.addi %mul3A_28, %add3A_40 : i32
        %swap3A = arith.index_cast %add3A_41 : i32 to index
        %swap3A_42 = arith.constant 0 : index
        %swap3A_43 = tpu.vector_load %arg12[%swap3A, %swap3A_42] {strides = array<i32>} : memref<128x16xf32, #tpu.memory_space<vmem>>, vector<1x16xf32>,
        %swap3A_44 = vector.shape_cast %swap3A_43 : vector<1x16xf32> to vector<16xf32>
        %swap3A_45 = vector.shape_cast %mul3A_39 : vector<16xf32> to vector<1x16xf32>
        tpu.vector_store %arg12[%swap3A, %swap3A_42], %swap3A_45 {strides = array<i32>} : memref<128x16xf32, #tpu.memory_space<vmem>>, vector<1x16xf32>,
        %add3A_46 = arith.constant 1 : i32
        %add3A_47 = arith.addi %mul3A_28, %add3A_46 : i32
        %get3A_48 = arith.index_cast %add3A_47 : i32 to index
        %get3A_49 = arith.constant 0 : index
        %get3A_50 = tpu.vector_load %arg12[%get3A_48, %get3A_49] {strides = array<i32>} : memref<128x16xf32, #tpu.memory_space<vmem>>, vector<1x16xf32>,
        %get3A_51 = vector.shape_cast %get3A_50 : vector<1x16xf32> to vector<16xf32>
        %slice3A_52 = vector.extract_strided_slice %get3A_31 {offsets = [1], sizes = [1], strides = [1]} : vector<16xf32> to vector<1xf32>
        %squeeze3A_53 = vector.extract %slice3A_52[0] : f32 from vector<1xf32>
        %mul3A_54 = vector.broadcast %squeeze3A_53 : f32 to vector<16xf32>
        %mul3A_55 = arith.mulf %get3A_51, %mul3A_54 : vector<16xf32>
        %add3A_56 = arith.constant 1 : i32
        %add3A_57 = arith.addi %mul3A_28, %add3A_56 : i32
        %swap3A_58 = arith.index_cast %add3A_57 : i32 to index
        %swap3A_59 = arith.constant 0 : index
        %swap3A_60 = tpu.vector_load %arg12[%swap3A_58, %swap3A_59] {strides = array<i32>} : memref<128x16xf32, #tpu.memory_space<vmem>>, vector<1x16xf32>,
        %swap3A_61 = vector.shape_cast %swap3A_60 : vector<1x16xf32> to vector<16xf32>
        %swap3A_62 = vector.shape_cast %mul3A_55 : vector<16xf32> to vector<1x16xf32>
        tpu.vector_store %arg12[%swap3A_58, %swap3A_59], %swap3A_62 {strides = array<i32>} : memref<128x16xf32, #tpu.memory_space<vmem>>, vector<1x16xf32>,
        %add3A_63 = arith.constant 2 : i32
        %add3A_64 = arith.addi %mul3A_28, %add3A_63 : i32
        %get3A_65 = arith.index_cast %add3A_64 : i32 to index
        %get3A_66 = arith.constant 0 : index
        %get3A_67 = tpu.vector_load %arg12[%get3A_65, %get3A_66] {strides = array<i32>} : memref<128x16xf32, #tpu.memory_space<vmem>>, vector<1x16xf32>,
        %get3A_68 = vector.shape_cast %get3A_67 : vector<1x16xf32> to vector<16xf32>
        %slice3A_69 = vector.extract_strided_slice %get3A_31 {offsets = [2], sizes = [1], strides = [1]} : vector<16xf32> to vector<1xf32>
        %squeeze3A_70 = vector.extract %slice3A_69[0] : f32 from vector<1xf32>
        %mul3A_71 = vector.broadcast %squeeze3A_70 : f32 to vector<16xf32>
        %mul3A_72 = arith.mulf %get3A_68, %mul3A_71 : vector<16xf32>
        %add3A_73 = arith.constant 2 : i32
        %add3A_74 = arith.addi %mul3A_28, %add3A_73 : i32
        %swap3A_75 = arith.index_cast %add3A_74 : i32 to index
        %swap3A_76 = arith.constant 0 : index
        %swap3A_77 = tpu.vector_load %arg12[%swap3A_75, %swap3A_76] {strides = array<i32>} : memref<128x16xf32, #tpu.memory_space<vmem>>, vector<1x16xf32>,
        %swap3A_78 = vector.shape_cast %swap3A_77 : vector<1x16xf32> to vector<16xf32>
        %swap3A_79 = vector.shape_cast %mul3A_72 : vector<16xf32> to vector<1x16xf32>
        tpu.vector_store %arg12[%swap3A_75, %swap3A_76], %swap3A_79 {strides = array<i32>} : memref<128x16xf32, #tpu.memory_space<vmem>>, vector<1x16xf32>,
        %add3A_80 = arith.constant 3 : i32
        %add3A_81 = arith.addi %mul3A_28, %add3A_80 : i32
        %get3A_82 = arith.index_cast %add3A_81 : i32 to index
        %get3A_83 = arith.constant 0 : index
        %get3A_84 = tpu.vector_load %arg12[%get3A_82, %get3A_83] {strides = array<i32>} : memref<128x16xf32, #tpu.memory_space<vmem>>, vector<1x16xf32>,
        %get3A_85 = vector.shape_cast %get3A_84 : vector<1x16xf32> to vector<16xf32>
        %slice3A_86 = vector.extract_strided_slice %get3A_31 {offsets = [3], sizes = [1], strides = [1]} : vector<16xf32> to vector<1xf32>
        %squeeze3A_87 = vector.extract %slice3A_86[0] : f32 from vector<1xf32>
        %mul3A_88 = vector.broadcast %squeeze3A_87 : f32 to vector<16xf32>
        %mul3A_89 = arith.mulf %get3A_85, %mul3A_88 : vector<16xf32>
        %add3A_90 = arith.constant 3 : i32
        %add3A_91 = arith.addi %mul3A_28, %add3A_90 : i32
        %swap3A_92 = arith.index_cast %add3A_91 : i32 to index
        %swap3A_93 = arith.constant 0 : index
        %swap3A_94 = tpu.vector_load %arg12[%swap3A_92, %swap3A_93] {strides = array<i32>} : memref<128x16xf32, #tpu.memory_space<vmem>>, vector<1x16xf32>,
        %swap3A_95 = vector.shape_cast %swap3A_94 : vector<1x16xf32> to vector<16xf32>
        %swap3A_96 = vector.shape_cast %mul3A_89 : vector<16xf32> to vector<1x16xf32>
        tpu.vector_store %arg12[%swap3A_92, %swap3A_93], %swap3A_96 {strides = array<i32>} : memref<128x16xf32, #tpu.memory_space<vmem>>, vector<1x16xf32>,
        %add3A_97 = arith.constant 4 : i32
        %add3A_98 = arith.addi %mul3A_28, %add3A_97 : i32
        %get3A_99 = arith.index_cast %add3A_98 : i32 to index
        %get3A_100 = arith.constant 0 : index
        %get3A_101 = tpu.vector_load %arg12[%get3A_99, %get3A_100] {strides = array<i32>} : memref<128x16xf32, #tpu.memory_space<vmem>>, vector<1x16xf32>,
        %get3A_102 = vector.shape_cast %get3A_101 : vector<1x16xf32> to vector<16xf32>
        %slice3A_103 = vector.extract_strided_slice %get3A_31 {offsets = [4], sizes = [1], strides = [1]} : vector<16xf32> to vector<1xf32>
        %squeeze3A_104 = vector.extract %slice3A_103[0] : f32 from vector<1xf32>
        %mul3A_105 = vector.broadcast %squeeze3A_104 : f32 to vector<16xf32>
        %mul3A_106 = arith.mulf %get3A_102, %mul3A_105 : vector<16xf32>
        %add3A_107 = arith.constant 4 : i32
        %add3A_108 = arith.addi %mul3A_28, %add3A_107 : i32
        %swap3A_109 = arith.index_cast %add3A_108 : i32 to index
        %swap3A_110 = arith.constant 0 : index
        %swap3A_111 = tpu.vector_load %arg12[%swap3A_109, %swap3A_110] {strides = array<i32>} : memref<128x16xf32, #tpu.memory_space<vmem>>, vector<1x16xf32>,
        %swap3A_112 = vector.shape_cast %swap3A_111 : vector<1x16xf32> to vector<16xf32>
        %swap3A_113 = vector.shape_cast %mul3A_106 : vector<16xf32> to vector<1x16xf32>
        tpu.vector_store %arg12[%swap3A_109, %swap3A_110], %swap3A_113 {strides = array<i32>} : memref<128x16xf32, #tpu.memory_space<vmem>>, vector<1x16xf32>,
        %add3A_114 = arith.constant 5 : i32
        %add3A_115 = arith.addi %mul3A_28, %add3A_114 : i32
        %get3A_116 = arith.index_cast %add3A_115 : i32 to index
        %get3A_117 = arith.constant 0 : index
        %get3A_118 = tpu.vector_load %arg12[%get3A_116, %get3A_117] {strides = array<i32>} : memref<128x16xf32, #tpu.memory_space<vmem>>, vector<1x16xf32>,
        %get3A_119 = vector.shape_cast %get3A_118 : vector<1x16xf32> to vector<16xf32>
        %slice3A_120 = vector.extract_strided_slice %get3A_31 {offsets = [5], sizes = [1], strides = [1]} : vector<16xf32> to vector<1xf32>
        %squeeze3A_121 = vector.extract %slice3A_120[0] : f32 from vector<1xf32>
        %mul3A_122 = vector.broadcast %squeeze3A_121 : f32 to vector<16xf32>
        %mul3A_123 = arith.mulf %get3A_119, %mul3A_122 : vector<16xf32>
        %add3A_124 = arith.constant 5 : i32
        %add3A_125 = arith.addi %mul3A_28, %add3A_124 : i32
        %swap3A_126 = arith.index_cast %add3A_125 : i32 to index
        %swap3A_127 = arith.constant 0 : index
        %swap3A_128 = tpu.vector_load %arg12[%swap3A_126, %swap3A_127] {strides = array<i32>} : memref<128x16xf32, #tpu.memory_space<vmem>>, vector<1x16xf32>,
        %swap3A_129 = vector.shape_cast %swap3A_128 : vector<1x16xf32> to vector<16xf32>
        %swap3A_130 = vector.shape_cast %mul3A_123 : vector<16xf32> to vector<1x16xf32>
        tpu.vector_store %arg12[%swap3A_126, %swap3A_127], %swap3A_130 {strides = array<i32>} : memref<128x16xf32, #tpu.memory_space<vmem>>, vector<1x16xf32>,
        %add3A_131 = arith.constant 6 : i32
        %add3A_132 = arith.addi %mul3A_28, %add3A_131 : i32
        %get3A_133 = arith.index_cast %add3A_132 : i32 to index
        %get3A_134 = arith.constant 0 : index
        %get3A_135 = tpu.vector_load %arg12[%get3A_133, %get3A_134] {strides = array<i32>} : memref<128x16xf32, #tpu.memory_space<vmem>>, vector<1x16xf32>,
        %get3A_136 = vector.shape_cast %get3A_135 : vector<1x16xf32> to vector<16xf32>
        %slice3A_137 = vector.extract_strided_slice %get3A_31 {offsets = [6], sizes = [1], strides = [1]} : vector<16xf32> to vector<1xf32>
        %squeeze3A_138 = vector.extract %slice3A_137[0] : f32 from vector<1xf32>
        %mul3A_139 = vector.broadcast %squeeze3A_138 : f32 to vector<16xf32>
        %mul3A_140 = arith.mulf %get3A_136, %mul3A_139 : vector<16xf32>
        %add3A_141 = arith.constant 6 : i32
        %add3A_142 = arith.addi %mul3A_28, %add3A_141 : i32
        %swap3A_143 = arith.index_cast %add3A_142 : i32 to index
        %swap3A_144 = arith.constant 0 : index
        %swap3A_145 = tpu.vector_load %arg12[%swap3A_143, %swap3A_144] {strides = array<i32>} : memref<128x16xf32, #tpu.memory_space<vmem>>, vector<1x16xf32>,
        %swap3A_146 = vector.shape_cast %swap3A_145 : vector<1x16xf32> to vector<16xf32>
        %swap3A_147 = vector.shape_cast %mul3A_140 : vector<16xf32> to vector<1x16xf32>
        tpu.vector_store %arg12[%swap3A_143, %swap3A_144], %swap3A_147 {strides = array<i32>} : memref<128x16xf32, #tpu.memory_space<vmem>>, vector<1x16xf32>,
        %add3A_148 = arith.constant 7 : i32
        %add3A_149 = arith.addi %mul3A_28, %add3A_148 : i32
        %get3A_150 = arith.index_cast %add3A_149 : i32 to index
        %get3A_151 = arith.constant 0 : index
        %get3A_152 = tpu.vector_load %arg12[%get3A_150, %get3A_151] {strides = array<i32>} : memref<128x16xf32, #tpu.memory_space<vmem>>, vector<1x16xf32>,
        %get3A_153 = vector.shape_cast %get3A_152 : vector<1x16xf32> to vector<16xf32>
        %slice3A_154 = vector.extract_strided_slice %get3A_31 {offsets = [7], sizes = [1], strides = [1]} : vector<16xf32> to vector<1xf32>
        %squeeze3A_155 = vector.extract %slice3A_154[0] : f32 from vector<1xf32>
        %mul3A_156 = vector.broadcast %squeeze3A_155 : f32 to vector<16xf32>
        %mul3A_157 = arith.mulf %get3A_153, %mul3A_156 : vector<16xf32>
        %add3A_158 = arith.constant 7 : i32
        %add3A_159 = arith.addi %mul3A_28, %add3A_158 : i32
        %swap3A_160 = arith.index_cast %add3A_159 : i32 to index
        %swap3A_161 = arith.constant 0 : index
        %swap3A_162 = tpu.vector_load %arg12[%swap3A_160, %swap3A_161] {strides = array<i32>} : memref<128x16xf32, #tpu.memory_space<vmem>>, vector<1x16xf32>,
        %swap3A_163 = vector.shape_cast %swap3A_162 : vector<1x16xf32> to vector<16xf32>
        %swap3A_164 = vector.shape_cast %mul3A_157 : vector<16xf32> to vector<1x16xf32>
        tpu.vector_store %arg12[%swap3A_160, %swap3A_161], %swap3A_164 {strides = array<i32>} : memref<128x16xf32, #tpu.memory_space<vmem>>, vector<1x16xf32>,
        %add3A_165 = arith.constant 8 : i32
        %add3A_166 = arith.addi %mul3A_28, %add3A_165 : i32
        %get3A_167 = arith.index_cast %add3A_166 : i32 to index
        %get3A_168 = arith.constant 0 : index
        %get3A_169 = tpu.vector_load %arg12[%get3A_167, %get3A_168] {strides = array<i32>} : memref<128x16xf32, #tpu.memory_space<vmem>>, vector<1x16xf32>,
        %get3A_170 = vector.shape_cast %get3A_169 : vector<1x16xf32> to vector<16xf32>
        %slice3A_171 = vector.extract_strided_slice %get3A_31 {offsets = [8], sizes = [1], strides = [1]} : vector<16xf32> to vector<1xf32>
        %squeeze3A_172 = vector.extract %slice3A_171[0] : f32 from vector<1xf32>
        %mul3A_173 = vector.broadcast %squeeze3A_172 : f32 to vector<16xf32>
        %mul3A_174 = arith.mulf %get3A_170, %mul3A_173 : vector<16xf32>
        %add3A_175 = arith.constant 8 : i32
        %add3A_176 = arith.addi %mul3A_28, %add3A_175 : i32
        %swap3A_177 = arith.index_cast %add3A_176 : i32 to index
        %swap3A_178 = arith.constant 0 : index
        %swap3A_179 = tpu.vector_load %arg12[%swap3A_177, %swap3A_178] {strides = array<i32>} : memref<128x16xf32, #tpu.memory_space<vmem>>, vector<1x16xf32>,
        %swap3A_180 = vector.shape_cast %swap3A_179 : vector<1x16xf32> to vector<16xf32>
        %swap3A_181 = vector.shape_cast %mul3A_174 : vector<16xf32> to vector<1x16xf32>
        tpu.vector_store %arg12[%swap3A_177, %swap3A_178], %swap3A_181 {strides = array<i32>} : memref<128x16xf32, #tpu.memory_space<vmem>>, vector<1x16xf32>,
        %add3A_182 = arith.constant 9 : i32
        %add3A_183 = arith.addi %mul3A_28, %add3A_182 : i32
        %get3A_184 = arith.index_cast %add3A_183 : i32 to index
        %get3A_185 = arith.constant 0 : index
        %get3A_186 = tpu.vector_load %arg12[%get3A_184, %get3A_185] {strides = array<i32>} : memref<128x16xf32, #tpu.memory_space<vmem>>, vector<1x16xf32>,
        %get3A_187 = vector.shape_cast %get3A_186 : vector<1x16xf32> to vector<16xf32>
        %slice3A_188 = vector.extract_strided_slice %get3A_31 {offsets = [9], sizes = [1], strides = [1]} : vector<16xf32> to vector<1xf32>
        %squeeze3A_189 = vector.extract %slice3A_188[0] : f32 from vector<1xf32>
        %mul3A_190 = vector.broadcast %squeeze3A_189 : f32 to vector<16xf32>
        %mul3A_191 = arith.mulf %get3A_187, %mul3A_190 : vector<16xf32>
        %add3A_192 = arith.constant 9 : i32
        %add3A_193 = arith.addi %mul3A_28, %add3A_192 : i32
        %swap3A_194 = arith.index_cast %add3A_193 : i32 to index
        %swap3A_195 = arith.constant 0 : index
        %swap3A_196 = tpu.vector_load %arg12[%swap3A_194, %swap3A_195] {strides = array<i32>} : memref<128x16xf32, #tpu.memory_space<vmem>>, vector<1x16xf32>,
        %swap3A_197 = vector.shape_cast %swap3A_196 : vector<1x16xf32> to vector<16xf32>
        %swap3A_198 = vector.shape_cast %mul3A_191 : vector<16xf32> to vector<1x16xf32>
        tpu.vector_store %arg12[%swap3A_194, %swap3A_195], %swap3A_198 {strides = array<i32>} : memref<128x16xf32, #tpu.memory_space<vmem>>, vector<1x16xf32>,
        %add3A_199 = arith.constant 10 : i32
        %add3A_200 = arith.addi %mul3A_28, %add3A_199 : i32
        %get3A_201 = arith.index_cast %add3A_200 : i32 to index
        %get3A_202 = arith.constant 0 : index
        %get3A_203 = tpu.vector_load %arg12[%get3A_201, %get3A_202] {strides = array<i32>} : memref<128x16xf32, #tpu.memory_space<vmem>>, vector<1x16xf32>,
        %get3A_204 = vector.shape_cast %get3A_203 : vector<1x16xf32> to vector<16xf32>
        %slice3A_205 = vector.extract_strided_slice %get3A_31 {offsets = [10], sizes = [1], strides = [1]} : vector<16xf32> to vector<1xf32>
        %squeeze3A_206 = vector.extract %slice3A_205[0] : f32 from vector<1xf32>
        %mul3A_207 = vector.broadcast %squeeze3A_206 : f32 to vector<16xf32>
        %mul3A_208 = arith.mulf %get3A_204, %mul3A_207 : vector<16xf32>
        %add3A_209 = arith.constant 10 : i32
        %add3A_210 = arith.addi %mul3A_28, %add3A_209 : i32
        %swap3A_211 = arith.index_cast %add3A_210 : i32 to index
        %swap3A_212 = arith.constant 0 : index
        %swap3A_213 = tpu.vector_load %arg12[%swap3A_211, %swap3A_212] {strides = array<i32>} : memref<128x16xf32, #tpu.memory_space<vmem>>, vector<1x16xf32>,
        %swap3A_214 = vector.shape_cast %swap3A_213 : vector<1x16xf32> to vector<16xf32>
        %swap3A_215 = vector.shape_cast %mul3A_208 : vector<16xf32> to vector<1x16xf32>
        tpu.vector_store %arg12[%swap3A_211, %swap3A_212], %swap3A_215 {strides = array<i32>} : memref<128x16xf32, #tpu.memory_space<vmem>>, vector<1x16xf32>,
        %add3A_216 = arith.constant 11 : i32
        %add3A_217 = arith.addi %mul3A_28, %add3A_216 : i32
        %get3A_218 = arith.index_cast %add3A_217 : i32 to index
        %get3A_219 = arith.constant 0 : index
        %get3A_220 = tpu.vector_load %arg12[%get3A_218, %get3A_219] {strides = array<i32>} : memref<128x16xf32, #tpu.memory_space<vmem>>, vector<1x16xf32>,
        %get3A_221 = vector.shape_cast %get3A_220 : vector<1x16xf32> to vector<16xf32>
        %slice3A_222 = vector.extract_strided_slice %get3A_31 {offsets = [11], sizes = [1], strides = [1]} : vector<16xf32> to vector<1xf32>
        %squeeze3A_223 = vector.extract %slice3A_222[0] : f32 from vector<1xf32>
        %mul3A_224 = vector.broadcast %squeeze3A_223 : f32 to vector<16xf32>
        %mul3A_225 = arith.mulf %get3A_221, %mul3A_224 : vector<16xf32>
        %add3A_226 = arith.constant 11 : i32
        %add3A_227 = arith.addi %mul3A_28, %add3A_226 : i32
        %swap3A_228 = arith.index_cast %add3A_227 : i32 to index
        %swap3A_229 = arith.constant 0 : index
        %swap3A_230 = tpu.vector_load %arg12[%swap3A_228, %swap3A_229] {strides = array<i32>} : memref<128x16xf32, #tpu.memory_space<vmem>>, vector<1x16xf32>,
        %swap3A_231 = vector.shape_cast %swap3A_230 : vector<1x16xf32> to vector<16xf32>
        %swap3A_232 = vector.shape_cast %mul3A_225 : vector<16xf32> to vector<1x16xf32>
        tpu.vector_store %arg12[%swap3A_228, %swap3A_229], %swap3A_232 {strides = array<i32>} : memref<128x16xf32, #tpu.memory_space<vmem>>, vector<1x16xf32>,
        %add3A_233 = arith.constant 12 : i32
        %add3A_234 = arith.addi %mul3A_28, %add3A_233 : i32
        %get3A_235 = arith.index_cast %add3A_234 : i32 to index
        %get3A_236 = arith.constant 0 : index
        %get3A_237 = tpu.vector_load %arg12[%get3A_235, %get3A_236] {strides = array<i32>} : memref<128x16xf32, #tpu.memory_space<vmem>>, vector<1x16xf32>,
        %get3A_238 = vector.shape_cast %get3A_237 : vector<1x16xf32> to vector<16xf32>
        %slice3A_239 = vector.extract_strided_slice %get3A_31 {offsets = [12], sizes = [1], strides = [1]} : vector<16xf32> to vector<1xf32>
        %squeeze3A_240 = vector.extract %slice3A_239[0] : f32 from vector<1xf32>
        %mul3A_241 = vector.broadcast %squeeze3A_240 : f32 to vector<16xf32>
        %mul3A_242 = arith.mulf %get3A_238, %mul3A_241 : vector<16xf32>
        %add3A_243 = arith.constant 12 : i32
        %add3A_244 = arith.addi %mul3A_28, %add3A_243 : i32
        %swap3A_245 = arith.index_cast %add3A_244 : i32 to index
        %swap3A_246 = arith.constant 0 : index
        %swap3A_247 = tpu.vector_load %arg12[%swap3A_245, %swap3A_246] {strides = array<i32>} : memref<128x16xf32, #tpu.memory_space<vmem>>, vector<1x16xf32>,
        %swap3A_248 = vector.shape_cast %swap3A_247 : vector<1x16xf32> to vector<16xf32>
        %swap3A_249 = vector.shape_cast %mul3A_242 : vector<16xf32> to vector<1x16xf32>
        tpu.vector_store %arg12[%swap3A_245, %swap3A_246], %swap3A_249 {strides = array<i32>} : memref<128x16xf32, #tpu.memory_space<vmem>>, vector<1x16xf32>,
        %add3A_250 = arith.constant 13 : i32
        %add3A_251 = arith.addi %mul3A_28, %add3A_250 : i32
        %get3A_252 = arith.index_cast %add3A_251 : i32 to index
        %get3A_253 = arith.constant 0 : index
        %get3A_254 = tpu.vector_load %arg12[%get3A_252, %get3A_253] {strides = array<i32>} : memref<128x16xf32, #tpu.memory_space<vmem>>, vector<1x16xf32>,
        %get3A_255 = vector.shape_cast %get3A_254 : vector<1x16xf32> to vector<16xf32>
        %slice3A_256 = vector.extract_strided_slice %get3A_31 {offsets = [13], sizes = [1], strides = [1]} : vector<16xf32> to vector<1xf32>
        %squeeze3A_257 = vector.extract %slice3A_256[0] : f32 from vector<1xf32>
        %mul3A_258 = vector.broadcast %squeeze3A_257 : f32 to vector<16xf32>
        %mul3A_259 = arith.mulf %get3A_255, %mul3A_258 : vector<16xf32>
        %add3A_260 = arith.constant 13 : i32
        %add3A_261 = arith.addi %mul3A_28, %add3A_260 : i32
        %swap3A_262 = arith.index_cast %add3A_261 : i32 to index
        %swap3A_263 = arith.constant 0 : index
        %swap3A_264 = tpu.vector_load %arg12[%swap3A_262, %swap3A_263] {strides = array<i32>} : memref<128x16xf32, #tpu.memory_space<vmem>>, vector<1x16xf32>,
        %swap3A_265 = vector.shape_cast %swap3A_264 : vector<1x16xf32> to vector<16xf32>
        %swap3A_266 = vector.shape_cast %mul3A_259 : vector<16xf32> to vector<1x16xf32>
        tpu.vector_store %arg12[%swap3A_262, %swap3A_263], %swap3A_266 {strides = array<i32>} : memref<128x16xf32, #tpu.memory_space<vmem>>, vector<1x16xf32>,
        %add3A_267 = arith.constant 14 : i32
        %add3A_268 = arith.addi %mul3A_28, %add3A_267 : i32
        %get3A_269 = arith.index_cast %add3A_268 : i32 to index
        %get3A_270 = arith.constant 0 : index
        %get3A_271 = tpu.vector_load %arg12[%get3A_269, %get3A_270] {strides = array<i32>} : memref<128x16xf32, #tpu.memory_space<vmem>>, vector<1x16xf32>,
        %get3A_272 = vector.shape_cast %get3A_271 : vector<1x16xf32> to vector<16xf32>
        %slice3A_273 = vector.extract_strided_slice %get3A_31 {offsets = [14], sizes = [1], strides = [1]} : vector<16xf32> to vector<1xf32>
        %squeeze3A_274 = vector.extract %slice3A_273[0] : f32 from vector<1xf32>
        %mul3A_275 = vector.broadcast %squeeze3A_274 : f32 to vector<16xf32>
        %mul3A_276 = arith.mulf %get3A_272, %mul3A_275 : vector<16xf32>
        %add3A_277 = arith.constant 14 : i32
        %add3A_278 = arith.addi %mul3A_28, %add3A_277 : i32
        %swap3A_279 = arith.index_cast %add3A_278 : i32 to index
        %swap3A_280 = arith.constant 0 : index
        %swap3A_281 = tpu.vector_load %arg12[%swap3A_279, %swap3A_280] {strides = array<i32>} : memref<128x16xf32, #tpu.memory_space<vmem>>, vector<1x16xf32>,
        %swap3A_282 = vector.shape_cast %swap3A_281 : vector<1x16xf32> to vector<16xf32>
        %swap3A_283 = vector.shape_cast %mul3A_276 : vector<16xf32> to vector<1x16xf32>
        tpu.vector_store %arg12[%swap3A_279, %swap3A_280], %swap3A_283 {strides = array<i32>} : memref<128x16xf32, #tpu.memory_space<vmem>>, vector<1x16xf32>,
        %add3A_284 = arith.constant 15 : i32
        %add3A_285 = arith.addi %mul3A_28, %add3A_284 : i32
        %get3A_286 = arith.index_cast %add3A_285 : i32 to index
        %get3A_287 = arith.constant 0 : index
        %get3A_288 = tpu.vector_load %arg12[%get3A_286, %get3A_287] {strides = array<i32>} : memref<128x16xf32, #tpu.memory_space<vmem>>, vector<1x16xf32>,
        %get3A_289 = vector.shape_cast %get3A_288 : vector<1x16xf32> to vector<16xf32>
        %slice3A_290 = vector.extract_strided_slice %get3A_31 {offsets = [15], sizes = [1], strides = [1]} : vector<16xf32> to vector<1xf32>
        %squeeze3A_291 = vector.extract %slice3A_290[0] : f32 from vector<1xf32>
        %mul3A_292 = vector.broadcast %squeeze3A_291 : f32 to vector<16xf32>
        %mul3A_293 = arith.mulf %get3A_289, %mul3A_292 : vector<16xf32>
        %add3A_294 = arith.constant 15 : i32
        %add3A_295 = arith.addi %mul3A_28, %add3A_294 : i32
        %swap3A_296 = arith.index_cast %add3A_295 : i32 to index
        %swap3A_297 = arith.constant 0 : index
        %swap3A_298 = tpu.vector_load %arg12[%swap3A_296, %swap3A_297] {strides = array<i32>} : memref<128x16xf32, #tpu.memory_space<vmem>>, vector<1x16xf32>,
        %swap3A_299 = vector.shape_cast %swap3A_298 : vector<1x16xf32> to vector<16xf32>
        %swap3A_300 = vector.shape_cast %mul3A_293 : vector<16xf32> to vector<1x16xf32>
        tpu.vector_store %arg12[%swap3A_296, %swap3A_297], %swap3A_300 {strides = array<i32>} : memref<128x16xf32, #tpu.memory_space<vmem>>, vector<1x16xf32>,
      }
      %scan3A_25 = arith.constant 8 : i32
      "tpu.region"() ({
        %run_scoped3A = tpu.sem_alloc : memref<!tpu.dma_semaphore, #tpu.memory_space<semaphore_mem>>
        %dma_start3A_26 = arith.constant 0 : i32
        %dma_start3A_27 = tpu.memref_slice %arg10[%scan3A_9, %dma_start3A_26] : memref<79x128xi32, #tpu.memory_space<vmem>> -> memref<1x128xi32, #tpu.memory_space<vmem>>
        %dma_start3A_28 = tpu.memref_squeeze %dma_start3A_27 : memref<1x128xi32, #tpu.memory_space<vmem>> -> memref<128xi32, #tpu.memory_space<vmem>>
        %dma_start3A_29 = arith.constant 0 : i32
        %dma_start3A_30 = arith.constant 0 : i32
        %dma_start3A_31 = tpu.memref_slice %arg8[%dma_start3A_29, %dma_start3A_30] : memref<10240x16xf32, #tpu.memory_space<vmem_shared>> -> memref<10240x16xf32, #tpu.memory_space<vmem_shared>>
        tpu.enqueue_indirect_dma source(%arg12 : memref<128x16xf32, #tpu.memory_space<vmem>>) target(%dma_start3A_31 : memref<10240x16xf32, #tpu.memory_space<vmem_shared>>) offsets(%dma_start3A_28 : memref<128xi32, #tpu.memory_space<vmem>>) semaphore(%run_scoped3A : memref<!tpu.dma_semaphore, #tpu.memory_space<semaphore_mem>>) {add = true}
        %dma_wait3A_32 = arith.constant 0 : i32
        %dma_wait3A_33 = tpu.memref_slice %arg10[%scan3A_9, %dma_wait3A_32] : memref<79x128xi32, #tpu.memory_space<vmem>> -> memref<1x128xi32, #tpu.memory_space<vmem>>
        %dma_wait3A_34 = tpu.memref_squeeze %dma_wait3A_33 : memref<1x128xi32, #tpu.memory_space<vmem>> -> memref<128xi32, #tpu.memory_space<vmem>>
        %dma_wait3A_35 = arith.constant 0 : i32
        %dma_wait3A_36 = arith.constant 0 : i32
        %dma_wait3A_37 = tpu.memref_slice %arg8[%dma_wait3A_35, %dma_wait3A_36] : memref<10240x16xf32, #tpu.memory_space<vmem_shared>> -> memref<10240x16xf32, #tpu.memory_space<vmem_shared>>
        tpu.wait_indirect_dma semaphore(%run_scoped3A : memref<!tpu.dma_semaphore, #tpu.memory_space<semaphore_mem>>) src(%arg12 : memref<128x16xf32, #tpu.memory_space<vmem>>) dst(%dma_wait3A_37 : memref<10240x16xf32, #tpu.memory_space<vmem_shared>>)
        tpu.yield
      }) : () -> ()
    }
    %scan3A_7 = arith.constant 79 : i32
    %barrier3A_8 = arith.constant 0 : index
    tpu.barrier barrier_id(%barrier3A_8)
    "tpu.region"() ({
      %run_scoped3A = tpu.sem_alloc : memref<!tpu.dma_semaphore, #tpu.memory_space<semaphore_mem>>
      %dma_start3A = arith.constant 0 : i32
      %dma_start3A_9 = arith.constant 0 : i32
      %dma_start3A_10 = tpu.memref_slice %arg7[%arg0, %arg1, %dma_start3A, %dma_start3A_9] : memref<2x16x640x16xf32, #tpu.memory_space<hbm>> -> memref<1x1x640x16xf32, #tpu.memory_space<hbm>>
      %dma_start3A_11 = tpu.memref_squeeze %dma_start3A_10 : memref<1x1x640x16xf32, #tpu.memory_space<hbm>> -> memref<640x16xf32, #tpu.memory_space<hbm>>
      %dma_start3A_12 = arith.constant 0 : i32
      %dma_start3A_13 = tpu.memref_slice %arg8[%multiple_of3A, %dma_start3A_12] : memref<10240x16xf32, #tpu.memory_space<vmem_shared>> -> memref<640x16xf32, #tpu.memory_space<vmem_shared>>
      tpu.enqueue_dma source(%dma_start3A_13 : memref<640x16xf32, #tpu.memory_space<vmem_shared>>) target(%dma_start3A_11 : memref<640x16xf32, #tpu.memory_space<hbm>>) target_semaphore(%run_scoped3A : memref<!tpu.dma_semaphore, #tpu.memory_space<semaphore_mem>>)
      %dma_wait3A = arith.constant 0 : i32
      %dma_wait3A_14 = arith.constant 0 : i32
      %dma_wait3A_15 = tpu.memref_slice %arg7[%arg0, %arg1, %dma_wait3A, %dma_wait3A_14] : memref<2x16x640x16xf32, #tpu.memory_space<hbm>> -> memref<1x1x640x16xf32, #tpu.memory_space<hbm>>
      %dma_wait3A_16 = tpu.memref_squeeze %dma_wait3A_15 : memref<1x1x640x16xf32, #tpu.memory_space<hbm>> -> memref<640x16xf32, #tpu.memory_space<hbm>>
      %dma_wait3A_17 = arith.constant 0 : i32
      %dma_wait3A_18 = tpu.memref_slice %arg8[%multiple_of3A, %dma_wait3A_17] : memref<10240x16xf32, #tpu.memory_space<vmem_shared>> -> memref<640x16xf32, #tpu.memory_space<vmem_shared>>
      tpu.wait_dma2 semaphore(%run_scoped3A : memref<!tpu.dma_semaphore, #tpu.memory_space<semaphore_mem>>) src(%dma_wait3A_18 : memref<640x16xf32, #tpu.memory_space<vmem_shared>>) dst(%dma_wait3A_16 : memref<640x16xf32, #tpu.memory_space<hbm>>)
      tpu.yield
    }) : () -> ()
    return
  }
}

module attributes {stable_mosaic.version = 14 : i64} {
  func.func @_mm_body(%arg0: memref<10000x128xf32, #tpu.memory_space<vmem>>, %arg1: memref<128x16xf32, #tpu.memory_space<vmem>>, %arg2: memref<10000x16xf32, #tpu.memory_space<vmem>>) attributes {dimension_semantics = [], scalar_prefetch = 0 : i64, scratch_operands = 0 : i64, tpu.core_type = #tpu.core_type<tc>} {
    %get3A = arith.constant 0 : index
    %get3A_0 = arith.constant 0 : index
    %get3A_1 = vector.load %arg0[%get3A, %get3A_0] : memref<10000x128xf32, #tpu.memory_space<vmem>>, vector<10000x128xf32>
    %get3A_2 = arith.constant 0 : index
    %get3A_3 = arith.constant 0 : index
    %get3A_4 = vector.load %arg1[%get3A_2, %get3A_3] : memref<128x16xf32, #tpu.memory_space<vmem>>, vector<128x16xf32>
    %dot_general3A = arith.constant dense<0.000000e+00> : vector<10000x16xf32>
    %dot_general3A_5 = tpu.matmul %get3A_1, %get3A_4, %dot_general3A {dimension_numbers = #tpu.dot_dimension_numbers<[1], [0], [0], [1], [0, 0, 1, 1], [], []>, transpose_lhs_hint = false} : vector<10000x128xf32>, vector<128x16xf32>, vector<10000x16xf32> -> vector<10000x16xf32>
    %swap3A = arith.constant 0 : index
    %swap3A_6 = arith.constant 0 : index
    %swap3A_7 = vector.load %arg2[%swap3A, %swap3A_6] : memref<10000x16xf32, #tpu.memory_space<vmem>>, vector<10000x16xf32>
    tpu.vector_store %arg2[%swap3A, %swap3A_6], %dot_general3A_5 {strides = array<i32>} : memref<10000x16xf32, #tpu.memory_space<vmem>>, vector<10000x16xf32>,
    return
  }
}

module attributes {stable_mosaic.version = 14 : i64} {
  func.func @_norm_body(%arg0: memref<10000x1xf32, #tpu.memory_space<vmem>>, %arg1: memref<10000x1xf32, #tpu.memory_space<vmem>>, %arg2: memref<10000x16xf32, #tpu.memory_space<vmem>>, %arg3: memref<10000x1xf32, #tpu.memory_space<vmem>>, %arg4: memref<10000x16xf32, #tpu.memory_space<vmem>>, %arg5: memref<10000x16xf32, #tpu.memory_space<vmem>>) attributes {dimension_semantics = [], scalar_prefetch = 0 : i64, scratch_operands = 0 : i64, tpu.core_type = #tpu.core_type<tc>} {
    %get3A = arith.constant 0 : index
    %get3A_0 = arith.constant 0 : index
    %get3A_1 = vector.load %arg0[%get3A, %get3A_0] : memref<10000x1xf32, #tpu.memory_space<vmem>>, vector<10000x1xf32>
    %get3A_2 = arith.constant 0 : index
    %get3A_3 = arith.constant 0 : index
    %get3A_4 = vector.load %arg1[%get3A_2, %get3A_3] : memref<10000x1xf32, #tpu.memory_space<vmem>>, vector<10000x1xf32>
    %add3A = arith.addf %get3A_1, %get3A_4 : vector<10000x1xf32>
    %add3A_5 = arith.constant 1.000000e+00 : f32
    %add3A_6 = vector.broadcast %add3A_5 : f32 to vector<10000x1xf32>
    %add3A_7 = arith.addf %add3A, %add3A_6 : vector<10000x1xf32>
    %sqrt3A = math.sqrt %add3A_7 : vector<10000x1xf32>
    %div3A = arith.constant 1.000000e+00 : f32
    %div3A_8 = vector.broadcast %div3A : f32 to vector<10000x1xf32>
    %div3A_9 = arith.divf %div3A_8, %sqrt3A : vector<10000x1xf32>
    %get3A_10 = arith.constant 0 : index
    %get3A_11 = arith.constant 0 : index
    %get3A_12 = vector.load %arg2[%get3A_10, %get3A_11] : memref<10000x16xf32, #tpu.memory_space<vmem>>, vector<10000x16xf32>
    %mul3A = vector.broadcast %div3A_9 : vector<10000x1xf32> to vector<10000x16xf32>
    %mul3A_13 = arith.mulf %mul3A, %get3A_12 : vector<10000x16xf32>
    %swap3A = arith.constant 0 : index
    %swap3A_14 = arith.constant 0 : index
    %swap3A_15 = vector.load %arg3[%swap3A, %swap3A_14] : memref<10000x1xf32, #tpu.memory_space<vmem>>, vector<10000x1xf32>
    tpu.vector_store %arg3[%swap3A, %swap3A_14], %div3A_9 {strides = array<i32>} : memref<10000x1xf32, #tpu.memory_space<vmem>>, vector<10000x1xf32>,
    %swap3A_16 = arith.constant 0 : index
    %swap3A_17 = arith.constant 0 : index
    %swap3A_18 = vector.load %arg4[%swap3A_16, %swap3A_17] : memref<10000x16xf32, #tpu.memory_space<vmem>>, vector<10000x16xf32>
    tpu.vector_store %arg4[%swap3A_16, %swap3A_17], %mul3A_13 {strides = array<i32>} : memref<10000x16xf32, #tpu.memory_space<vmem>>, vector<10000x16xf32>,
    %mul3A_19 = vector.broadcast %div3A_9 : vector<10000x1xf32> to vector<10000x16xf32>
    %mul3A_20 = arith.mulf %mul3A_19, %mul3A_13 : vector<10000x16xf32>
    %swap3A_21 = arith.constant 0 : index
    %swap3A_22 = arith.constant 0 : index
    %swap3A_23 = vector.load %arg5[%swap3A_21, %swap3A_22] : memref<10000x16xf32, #tpu.memory_space<vmem>>, vector<10000x16xf32>
    tpu.vector_store %arg5[%swap3A_21, %swap3A_22], %mul3A_20 {strides = array<i32>} : memref<10000x16xf32, #tpu.memory_space<vmem>>, vector<10000x16xf32>,
    return
  }
}

module attributes {stable_mosaic.version = 14 : i64} {
  func.func @_mid_body(%arg0: memref<10000x16xf32, #tpu.memory_space<vmem>>, %arg1: memref<10000x16xf32, #tpu.memory_space<vmem>>, %arg2: memref<10000x16xf32, #tpu.memory_space<vmem>>, %arg3: memref<10000x1xf32, #tpu.memory_space<vmem>>, %arg4: memref<1x16xf32, #tpu.memory_space<vmem>>, %arg5: memref<16x16xf32, #tpu.memory_space<vmem>>, %arg6: memref<10000x16xf32, #tpu.memory_space<vmem>>, %arg7: memref<10000x16xf32, #tpu.memory_space<vmem>>) attributes {dimension_semantics = [], scalar_prefetch = 0 : i64, scratch_operands = 0 : i64, tpu.core_type = #tpu.core_type<tc>} {
    %get3A = arith.constant 0 : index
    %get3A_0 = arith.constant 0 : index
    %get3A_1 = vector.load %arg3[%get3A, %get3A_0] : memref<10000x1xf32, #tpu.memory_space<vmem>>, vector<10000x1xf32>
    %get3A_2 = arith.constant 0 : index
    %get3A_3 = arith.constant 0 : index
    %get3A_4 = vector.load %arg0[%get3A_2, %get3A_3] : memref<10000x16xf32, #tpu.memory_space<vmem>>, vector<10000x16xf32>
    %get3A_5 = arith.constant 0 : index
    %get3A_6 = arith.constant 0 : index
    %get3A_7 = vector.load %arg1[%get3A_5, %get3A_6] : memref<10000x16xf32, #tpu.memory_space<vmem>>, vector<10000x16xf32>
    %add3A = arith.addf %get3A_4, %get3A_7 : vector<10000x16xf32>
    %mul3A = vector.broadcast %get3A_1 : vector<10000x1xf32> to vector<10000x16xf32>
    %mul3A_8 = arith.mulf %mul3A, %add3A : vector<10000x16xf32>
    %get3A_9 = arith.constant 0 : index
    %get3A_10 = arith.constant 0 : index
    %get3A_11 = vector.load %arg2[%get3A_9, %get3A_10] : memref<10000x16xf32, #tpu.memory_space<vmem>>, vector<10000x16xf32>
    %add3A_12 = arith.addf %mul3A_8, %get3A_11 : vector<10000x16xf32>
    %get3A_13 = arith.constant 0 : index
    %get3A_14 = arith.constant 0 : index
    %get3A_15 = vector.load %arg4[%get3A_13, %get3A_14] : memref<1x16xf32, #tpu.memory_space<vmem>>, vector<1x16xf32>
    %add3A_16 = vector.broadcast %get3A_15 : vector<1x16xf32> to vector<10000x16xf32>
    %add3A_17 = arith.addf %add3A_12, %add3A_16 : vector<10000x16xf32>
    %max3A = arith.constant 0.000000e+00 : f32
    %max3A_18 = vector.broadcast %max3A : f32 to vector<10000x16xf32>
    %max3A_19 = arith.maximumf %add3A_17, %max3A_18 : vector<10000x16xf32>
    %get3A_20 = arith.constant 0 : index
    %get3A_21 = arith.constant 0 : index
    %get3A_22 = vector.load %arg5[%get3A_20, %get3A_21] : memref<16x16xf32, #tpu.memory_space<vmem>>, vector<16x16xf32>
    %dot_general3A = arith.constant dense<0.000000e+00> : vector<10000x16xf32>
    %dot_general3A_23 = tpu.matmul %max3A_19, %get3A_22, %dot_general3A {dimension_numbers = #tpu.dot_dimension_numbers<[1], [0], [0], [1], [0, 0, 1, 1], [], []>, transpose_lhs_hint = false} : vector<10000x16xf32>, vector<16x16xf32>, vector<10000x16xf32> -> vector<10000x16xf32>
    %get3A_24 = arith.constant 0 : index
    %get3A_25 = arith.constant 0 : index
    %get3A_26 = vector.load %arg3[%get3A_24, %get3A_25] : memref<10000x1xf32, #tpu.memory_space<vmem>>, vector<10000x1xf32>
    %mul3A_27 = vector.broadcast %get3A_26 : vector<10000x1xf32> to vector<10000x16xf32>
    %mul3A_28 = arith.mulf %mul3A_27, %dot_general3A_23 : vector<10000x16xf32>
    %swap3A = arith.constant 0 : index
    %swap3A_29 = arith.constant 0 : index
    %swap3A_30 = vector.load %arg6[%swap3A, %swap3A_29] : memref<10000x16xf32, #tpu.memory_space<vmem>>, vector<10000x16xf32>
    tpu.vector_store %arg6[%swap3A, %swap3A_29], %mul3A_28 {strides = array<i32>} : memref<10000x16xf32, #tpu.memory_space<vmem>>, vector<10000x16xf32>,
    %get3A_31 = arith.constant 0 : index
    %get3A_32 = arith.constant 0 : index
    %get3A_33 = vector.load %arg3[%get3A_31, %get3A_32] : memref<10000x1xf32, #tpu.memory_space<vmem>>, vector<10000x1xf32>
    %mul3A_34 = vector.broadcast %get3A_33 : vector<10000x1xf32> to vector<10000x16xf32>
    %mul3A_35 = arith.mulf %mul3A_34, %mul3A_28 : vector<10000x16xf32>
    %swap3A_36 = arith.constant 0 : index
    %swap3A_37 = arith.constant 0 : index
    %swap3A_38 = vector.load %arg7[%swap3A_36, %swap3A_37] : memref<10000x16xf32, #tpu.memory_space<vmem>>, vector<10000x16xf32>
    tpu.vector_store %arg7[%swap3A_36, %swap3A_37], %mul3A_35 {strides = array<i32>} : memref<10000x16xf32, #tpu.memory_space<vmem>>, vector<10000x16xf32>,
    return
  }
}

module attributes {stable_mosaic.version = 14 : i64} {
  func.func @_post_body(%arg0: memref<10000x16xf32, #tpu.memory_space<vmem>>, %arg1: memref<10000x16xf32, #tpu.memory_space<vmem>>, %arg2: memref<10000x16xf32, #tpu.memory_space<vmem>>, %arg3: memref<10000x1xf32, #tpu.memory_space<vmem>>, %arg4: memref<1x16xf32, #tpu.memory_space<vmem>>, %arg5: memref<1x16xf32, #tpu.memory_space<vmem>>, %arg6: memref<1x1xf32, #tpu.memory_space<vmem>>, %arg7: memref<10000x1xf32, #tpu.memory_space<vmem>>, %arg8: memref<10000x16xf32, #tpu.memory_space<vmem>>) attributes {dimension_semantics = [], scalar_prefetch = 0 : i64, scratch_operands = 0 : i64, tpu.core_type = #tpu.core_type<tc>} {
    %get3A = arith.constant 0 : index
    %get3A_0 = arith.constant 0 : index
    %get3A_1 = vector.load %arg3[%get3A, %get3A_0] : memref<10000x1xf32, #tpu.memory_space<vmem>>, vector<10000x1xf32>
    %get3A_2 = arith.constant 0 : index
    %get3A_3 = arith.constant 0 : index
    %get3A_4 = vector.load %arg0[%get3A_2, %get3A_3] : memref<10000x16xf32, #tpu.memory_space<vmem>>, vector<10000x16xf32>
    %get3A_5 = arith.constant 0 : index
    %get3A_6 = arith.constant 0 : index
    %get3A_7 = vector.load %arg1[%get3A_5, %get3A_6] : memref<10000x16xf32, #tpu.memory_space<vmem>>, vector<10000x16xf32>
    %add3A = arith.addf %get3A_4, %get3A_7 : vector<10000x16xf32>
    %mul3A = vector.broadcast %get3A_1 : vector<10000x1xf32> to vector<10000x16xf32>
    %mul3A_8 = arith.mulf %mul3A, %add3A : vector<10000x16xf32>
    %get3A_9 = arith.constant 0 : index
    %get3A_10 = arith.constant 0 : index
    %get3A_11 = vector.load %arg2[%get3A_9, %get3A_10] : memref<10000x16xf32, #tpu.memory_space<vmem>>, vector<10000x16xf32>
    %add3A_12 = arith.addf %mul3A_8, %get3A_11 : vector<10000x16xf32>
    %get3A_13 = arith.constant 0 : index
    %get3A_14 = arith.constant 0 : index
    %get3A_15 = vector.load %arg4[%get3A_13, %get3A_14] : memref<1x16xf32, #tpu.memory_space<vmem>>, vector<1x16xf32>
    %add3A_16 = vector.broadcast %get3A_15 : vector<1x16xf32> to vector<10000x16xf32>
    %add3A_17 = arith.addf %add3A_12, %add3A_16 : vector<10000x16xf32>
    %max3A = arith.constant 0.000000e+00 : f32
    %max3A_18 = vector.broadcast %max3A : f32 to vector<10000x16xf32>
    %max3A_19 = arith.maximumf %add3A_17, %max3A_18 : vector<10000x16xf32>
    %get3A_20 = arith.constant 0 : index
    %get3A_21 = arith.constant 0 : index
    %get3A_22 = vector.load %arg5[%get3A_20, %get3A_21] : memref<1x16xf32, #tpu.memory_space<vmem>>, vector<1x16xf32>
    %mul3A_23 = vector.broadcast %get3A_22 : vector<1x16xf32> to vector<10000x16xf32>
    %mul3A_24 = arith.mulf %max3A_19, %mul3A_23 : vector<10000x16xf32>
    %reduce_sum3A = arith.constant dense<0.000000e+00> : vector<10000xf32>
    %reduce_sum3A_25 = vector.multi_reduction <add>, %mul3A_24, %reduce_sum3A [1] : vector<10000x16xf32> to vector<10000xf32>
    %broadcast_in_dim3A = vector.shape_cast %reduce_sum3A_25 : vector<10000xf32> to vector<10000x1xf32>
    %get3A_26 = arith.constant 0 : index
    %get3A_27 = arith.constant 0 : index
    %get3A_28 = vector.load %arg6[%get3A_26, %get3A_27] : memref<1x1xf32, #tpu.memory_space<vmem>>, vector<1x1xf32>
    %add3A_29 = vector.broadcast %get3A_28 : vector<1x1xf32> to vector<10000x1xf32>
    %add3A_30 = arith.addf %broadcast_in_dim3A, %add3A_29 : vector<10000x1xf32>
    %logistic3A = arith.negf %add3A_30 : vector<10000x1xf32>
    %logistic3A_31 = math.exp %logistic3A : vector<10000x1xf32>
    %logistic3A_32 = arith.constant 1.000000e+00 : f32
    %logistic3A_33 = vector.broadcast %logistic3A_32 : f32 to vector<10000x1xf32>
    %logistic3A_34 = arith.addf %logistic3A_33, %logistic3A_31 : vector<10000x1xf32>
    %logistic3A_35 = arith.divf %logistic3A_33, %logistic3A_34 : vector<10000x1xf32>
    %swap3A = arith.constant 0 : index
    %swap3A_36 = arith.constant 0 : index
    %swap3A_37 = vector.load %arg7[%swap3A, %swap3A_36] : memref<10000x1xf32, #tpu.memory_space<vmem>>, vector<10000x1xf32>
    tpu.vector_store %arg7[%swap3A, %swap3A_36], %logistic3A_35 {strides = array<i32>} : memref<10000x1xf32, #tpu.memory_space<vmem>>, vector<10000x1xf32>,
    %swap3A_38 = arith.constant 0 : index
    %swap3A_39 = arith.constant 0 : index
    %swap3A_40 = vector.load %arg8[%swap3A_38, %swap3A_39] : memref<10000x16xf32, #tpu.memory_space<vmem>>, vector<10000x16xf32>
    tpu.vector_store %arg8[%swap3A_38, %swap3A_39], %add3A_17 {strides = array<i32>} : memref<10000x16xf32, #tpu.memory_space<vmem>>, vector<10000x16xf32>,
    return
  }
}

</mosaic_0001>

<sc_bundles>
// kernel: kernel.12.cloned.1.call-start
scs
__scs_entry_jumppad:
0x0: {  	(pc) =	sbr.rel $0x88, $3  }
0x1: {  	(tag) =	ssettag $0x0;
	lr =	simm.s32 $0x1  }
0x2: {  	[smem:$0x3F98] =	sst lr;
	_ =	strace $0xD0000000  }
0x3: {  	_ = 	snop  }
0x4: {  	_ = 	snop  }
0x5: {  	_ = 	snop  }
0x6: {  	_ = 	snop  }
0x7: {  	_ = 	snop  }
__scs_overlays_trampoline_lowered:
0x8: {  	[smem:$0x3FA7] =	sst s0  }
0x9: {  	[smem:$0x3FA8] =	sst s1  }
0xa: {  	[smem:$0x3FA9] =	sst s2  }
0xb: {  	[smem:$0x3FAA] =	sst s3  }
0xc: {  	[smem:$0x3FAB] =	sst s4  }
0xd: {  	[smem:$0x3FAC] =	sst s5  }
0xe: {  	[smem:$0x3FAD] =	sst s6  }
0xf: {  	[smem:$0x3FAE] =	sst s7  }
0x10: {  	[smem:$0x3FAF] =	sst s8  }
0x11: {  	[smem:$0x3FB0] =	sst s9;
	s0 =	simm.s32 @!p0 $0x0  }
0x12: {  	s1 =	sld [smem:$0x3F96];
	s0 =	simm.s32 @p0 $0x1  }
0x13: {  	[smem:$0x3FB1] =	sst s0;
	s0 =	simm.s32 @!p1 $0x0  }
0x14: {  	s2 =	sld [smem:$0x3F95];
	s0 =	simm.s32 @p1 $0x1  }
0x15: {  	[smem:$0x3FB2] =	sst s0;
	s0 =	simm.s32 @!p2 $0x0  }
0x16: {  	s3 =	sld [smem:$0x3FDB];
	s0 =	simm.s32 @p2 $0x1  }
0x17: {  	s4 =	simm.s32 $0x1BF5;
	[smem:$0x3FB4] =	sst s0  }
0x18: {  	s0 =	sld [smem:$0x3F97];
	_ =	swait.ge [sflag:s4], $0x0  }
0x19: {  	s7 =	sld [smem:$0x3F98]  }
0x1a: {  	s8 =	sadd.s32 $0xFFFFE003, lr  }
0x1b: {  	s9 =	sadd.s32 $0xFFFFFEF7, lr;
	s5 =	simm.s32 $0xFFFFFFFF;
	p2 =	slt.u32 s8, $0xFFFFF086  }
0x1c: {  	p1 =	slt.u32 s9, $0xF7A;
	s5 =	simm.s32 @!p2 $0x0  }
0x1d: {  	s5 =	simm.s32 @p1 $0x1;
	p0 =	seq.s32 s7, s2  }
0x1e: {  	s7 =	smul.u32 @!p0 $0xF7A, s2;
	p2 =	seq.s32 @!p0 s5, $0x0  }
0x1f: {  	s9 =	smul.u32 $0xF7A, s1;
	s8 =	simm.s32 @!p0 $0x1BF5;
	p2 =	por !p2, p0  }
0x20: {  	[sflag:s8] =	ssyncset.s32 @!p0 $0xFFFFF086;
	s6 =	sadd.s32 @!p0 s3, s7;
	s7 =	simm.s32 @!p0 $0x108  }
0x21: {  	s3 =	sadd.s32 s3, s9;
	s6 =	sadd.s32 @!p0 $0x88, s6;
	s7 =	simm.s32 @p2 $0x1082  }
0x22: {  	[simem:s7], [sflag:s8] =	dma.local @!p0 [hbm:s6], $0xF7A  }
0x23: {  	s9 =	sor.u32 $0xD0000000, s2;
	s6 =	simm.s32 $0x108;
	_ =	swait.ge @!p0 [sflag:s8], $0x0  }
0x24: {  	s3 =	sadd.s32 $0x88, s3;
	s6 =	simm.s32 @!p1 $0x1082;
	[sflag:s4] =	ssyncset.s32 $0xFFFFF086  }
0x25: {  	[simem:s6], [sflag:s4] =	dma.local [hbm:s3], $0xF7A  }
0x26: {  	[smem:$0x3F98] =	sst s1;
	(tag) =	ssettag s2;
	_ =	strace s9  }
0x27: {  	s1 =	sld [smem:$0x3FA8]  }
0x28: {  	s2 =	sld [smem:$0x3FA9]  }
0x29: {  	s4 =	sld [smem:$0x3FAB]  }
0x2a: {  	p0 =	seq.s32 s5, $0x0;
	s5 =	sld [smem:$0x3FAC]  }
0x2b: {  	s6 =	sld [smem:$0x3FAD]  }
0x2c: {  	s7 =	sld [smem:$0x3FAE]  }
0x2d: {  	s3 =	simm.s32 $0x108;
	s8 =	sld [smem:$0x3FAF]  }
0x2e: {  	s3 =	simm.s32 @!p0 $0x1082;
	s9 =	sld [smem:$0x3FB0]  }
0x2f: {  	lr =	sadd.s32 s0, s3;
	s0 =	sld [smem:$0x3FA7]  }
0x30: {  	s3 =	sld [smem:$0x3FAA]  }
0x31: {  	[smem:$0x3FB3] =	sst s10  }
0x32: {  	s10 =	sld [smem:$0x3FB1];
	_ =	sdelay $0x3  }
0x33: {  	p0 =	seq.s32 s10, $0x1;
	s10 =	sld [smem:$0x3FB3];
	_ =	sdelay $0x3  }
0x34: {  	[smem:$0x3FB3] =	sst s10  }
0x35: {  	s10 =	sld [smem:$0x3FB2];
	_ =	sdelay $0x3  }
0x36: {  	p1 =	seq.s32 s10, $0x1;
	s10 =	sld [smem:$0x3FB3];
	_ =	sdelay $0x3  }
0x37: {  	[smem:$0x3FB3] =	sst s10  }
0x38: {  	s10 =	sld [smem:$0x3FB4]  }
0x39: {  	_ = 	snop;
	(pc) =	sbr.ind lr, $3  }
0x3a: {  	_ = 	snop  }
0x3b: {  	_ = 	snop  }
0x3c: {  	p2 =	seq.s32 s10, $0x1;
	s10 =	sld [smem:$0x3FB3]  }
0x3d: {  	_ =	shalt  }
0x3e: {  	_ =	shalt  }
0x3f: {  	_ =	shalt  }
0x40: {  	_ =	shalt  }
0x41: {  	_ =	shalt  }
0x42: {  	_ =	shalt  }
0x43: {  	_ =	shalt  }
0x44: {  	_ =	shalt  }
0x45: {  	_ =	shalt  }
0x46: {  	_ =	shalt  }
0x47: {  	_ =	shalt  }
0x48: {  	_ =	shalt  }
0x49: {  	_ =	shalt  }
0x4a: {  	_ =	shalt  }
0x4b: {  	_ =	shalt  }
0x4c: {  	_ =	shalt  }
0x4d: {  	_ =	shalt  }
0x4e: {  	_ =	shalt  }
0x4f: {  	_ =	shalt  }
0x50: {  	_ =	shalt  }
0x51: {  	_ =	shalt  }
0x52: {  	_ =	shalt  }
0x53: {  	_ =	shalt  }
0x54: {  	_ =	shalt  }
0x55: {  	_ =	shalt  }
0x56: {  	_ =	shalt  }
0x57: {  	_ =	shalt  }
0x58: {  	_ =	shalt  }
0x59: {  	_ =	shalt  }
0x5a: {  	_ =	shalt  }
0x5b: {  	_ =	shalt  }
0x5c: {  	_ =	shalt  }
0x5d: {  	_ =	shalt  }
0x5e: {  	_ =	shalt  }
0x5f: {  	_ =	shalt  }
0x60: {  	_ =	shalt  }
0x61: {  	_ =	shalt  }
0x62: {  	_ =	shalt  }
0x63: {  	_ =	shalt  }
0x64: {  	_ =	shalt  }
0x65: {  	_ =	shalt  }
0x66: {  	_ =	shalt  }
0x67: {  	_ =	shalt  }
0x68: {  	_ =	shalt  }
0x69: {  	_ =	shalt  }
0x6a: {  	_ =	shalt  }
0x6b: {  	_ =	shalt  }
0x6c: {  	_ =	shalt  }
0x6d: {  	_ =	shalt  }
0x6e: {  	_ =	shalt  }
0x6f: {  	_ =	shalt  }
0x70: {  	_ =	shalt  }
0x71: {  	_ =	shalt  }
0x72: {  	_ =	shalt  }
0x73: {  	_ =	shalt  }
0x74: {  	_ =	shalt  }
0x75: {  	_ =	shalt  }
0x76: {  	_ =	shalt  }
0x77: {  	_ =	shalt  }
0x78: {  	_ =	shalt  }
0x79: {  	_ =	shalt  }
0x7a: {  	_ =	shalt  }
0x7b: {  	_ =	shalt  }
0x7c: {  	_ =	shalt  }
0x7d: {  	_ =	shalt  }
0x7e: {  	_ =	shalt  }
0x7f: {  	_ =	shalt  }
0x80: {  	_ =	shalt  }
0x81: {  	_ =	shalt  }
0x82: {  	_ =	shalt  }
0x83: {  	_ =	shalt  }
0x84: {  	_ =	shalt  }
0x85: {  	_ =	shalt  }
0x86: {  	_ =	shalt  }
0x87: {  	_ =	shalt  }
.Lfunc_end0:
.L_simem_size_0:
called_computation.1_lowered:
.L_overlay_start_0:
0x88: {  	s2 =	sld [smem:$0x3FD9]  }
0x89: {  	s3 =	sld [smem:$0x3FFE];
	_ =	sdelay $0x1  }
0x8a: {  	s1 =	srdreg.scid  }
0x8b: {  	s0 =	sand.u32 $0x1, s1  }
0x8c: {  	s16 =	sshll.u32 s0, $0xA;
	s2 =	sadd.s32 s3, s2  }
0x8d: {  	s2 =	sadd.s32 s2, s16  }
0x8e: {  	[smem:$0x3FBF] =	sst s2  }
0x8f: {  	_ = 	snop  }
0x90: {  	(tm) =	ssettm $0x1  }
0x91: {  	s17 =	sld [smem:$0x3FFB];
	_ =	sdelay $0x3  }
0x92: {  	_ =	strace s17  }
0x93: {  	s2 =	sld [smem:$0x3FFC];
	_ =	sdelay $0x3  }
0x94: {  	_ =	strace s2  }
0x95: {  	s2 =	sld [smem:$0x3FFD];
	_ =	sdelay $0x3  }
0x96: {  	_ =	strace s2  }
0x97: {  	_ =	strace $0x8FFFFFFF  }
0x98: {  	s18 =	sld [smem:$0x3FDB];
	_ =	sdelay $0x1  }
0x99: {  	s19 =	simm.s32 $_scs_section_size  }
0x9a: {  	s4 =	simm.s32 $_size__tile_overlayer_lowered;
	s5 =	simm.s32 $_tile_overlayer_lowered  }
0x9b: {  	s22 =	simm.s32 $0x1BFF;
	s21 =	sshll.u32 s5, $0x1;
	s2 =	sadd.s32 s19, s18  }
0x9c: {  	s6 =	simm.s32 $0x0;
	s20 =	sshll.u32 s4, $0x1;
	s4 =	sadd.s32 s21, s2  }
0x9d: {  	[timem:s6], [sflag:s22] =	dma.local [hbm:s4], s20  }
0x9e: {  	_ =	swait.ge [sflag:s22], s20  }
0x9f: {  	s3 =	ssub.s32 $0x0, s20;
	[sflag:s22] =	ssyncset.done $0x0  }
0xa0: {  	[sflag:s22] =	ssyncadd.s32 s3;
	_ =	sdelay $0x1  }
0xa1: {  	s23 =	simm.s32 $0x1B8B  }
0xa2: {  	_ =	swait.ge [sflag:s23], $0x1  }
0xa3: {  	[sflag:s23] =	ssyncset.done $0x0  }
0xa4: {  	s25 =	simm.s32 $0x1B8E;
	s24 =	sld [smem:$0x3FFE];
	[sflag:s23] =	ssyncadd.s32 $0xFFFFFFFF  }
0xa5: {  	s26 =	simm.s32 $execute0_lowered;
	[smem:$0x3FD2] =	sst s25  }
0xa6: {  	s4 =	sshll.u32 s26, $0x1;
	_ =	strace $0x80000049;
	[dreg:$0x1] =	wrdreg $0xFFFFFFFF  }
0xa7: {  	s28 =	simm.s32 $_size_execute0_lowered;
	s2 =	sadd.s32 s2, s4;
	[dreg:$0x0] =	wrdreg $0x0  }
0xa8: {  	s4 =	sshll.u32 s28, $0x1;
	[dreg:$0x2] =	wrdreg s2  }
0xa9: {  	[dreg:$0x3] =	wrdreg s4  }
0xaa: {  	[dreg:$0x4] =	wrdreg $0xC0  }
0xab: {  	_ =	task [dreg:s6], $0x5FFFF  }
0xac: {  	[dreg:$0x1] =	wrdreg $0xFFFFFFFF  }
0xad: {  	[dreg:$0x0] =	wrdreg $0x60  }
0xae: {  	[dreg:$0x2] =	wrdreg s24  }
0xaf: {  	[dreg:$0x3] =	wrdreg $0x0  }
0xb0: {  	[dreg:$0x4] =	wrdreg $0x9  }
0xb1: {  	_ =	task.clear_ibuf [dreg:s6], $0x5FFFF;
	_ =	strace $0x90000049  }
0xb2: {  	s29 =	simm.s32 $0x9;
	_ =	strace $0x8000004B  }
0xb3: {  	_ =	swait.ge [sflag:s29], $0x1  }
0xb4: {  	[sflag:s29] =	ssyncadd.s32 $0xFFFFFFFF  }
0xb5: {  	_ =	strace $0x9000004B  }
0xb6: {  	_ =	sfence  }
0xb7: {  	s30 =	sld [smem:$0x0];
	_ =	sdelay $0x2  }
0xb8: {  	s31 =	sshll.u32 s1, $0xD;
	s1 =	sshrl.u32 s1, $0x2  }
0xb9: {  	s3 =	sand.u32 $0x4000, s31;
	s1 =	sadd.s32 s1, s30  }
0xba: {  	s0 =	sor.u32 s3, s0;
	s1 =	sshll.u32 s1, $0x11  }
0xbb: {  	s0 =	sor.u32 s1, s0  }
0xbc: {  	s0 =	sadd.s32 $0x8F2B, s0  }
0xbd: {  	[sflag:s0] =	ssyncadd.remote.s32 $0x1  }
0xbe: {  	_ =	sfence.sel $0xFFFF  }
0xbf: {  	[dreg:$0x0] =	wrdreg $0xFFFFFFFF;
	(pc) =	sbr.abs _section_cstart, $3  }
0xc0: {  	[dreg:$0x1] =	wrdreg $0xFFFFFFFF  }
0xc1: {  	_ =	task.clear_ibuf [dreg:s6], $0x2FFFF;
	_ =	strace $0x9FFFFFFF  }
0xc2: {  	(tm) =	ssettm $0x7FFFFFFF  }
0xc3: {  	_ =	shalt  }
tec
execute0_lowered:
.L_overlay_start_1:
0x0: {  	(tag) =	ssettag $0x1  }
0x1: {  	s6 =	rddreg [dreg:$0x0]  }
0x2: {  	s0 =	srdreg.scid;
	s2 =	rddreg [dreg:$0x1];
	s3 =	simm.s32 $0x0  }
0x3: {  	s14 =	simm.s32 $0x2800;
	s15 =	simm.s32 $0x4F80;
	s16 =	simm.s32 $0x80  }
0x4: {  	s17 =	simm.s32 $0x9E80;
	s5 =	sand.u32 $0x1, s0;
	s0 =	stileid.u32  }
0x5: {  	s18 =	simm.s32 $0x1;
	s19 =	simm.s32 $0x0;
	s7 =	smul.u32 $0x2800, s0  }
0x6: {  	[smem:$0x7FF] =	sst s3;
	s1 =	sshll.u32 s5, $0x4;
	s8 =	smul.u32 $0x28000, s5  }
0x7: {  	s28 =	smul.u32 $0xA000, s0;
	s5 =	ssub.s32 $0x2, s5;
	s1 =	sor.u32 s0, s1  }
0x8: {  	s31 =	sshll.u32 s0, $0x6;
	s29 =	sshrl.u32 s5, $0x1;
	s4 =	smul.u32 $0x4F0, s1  }
0x9: {  	s1 =	rddreg [dreg:$0x2];
	_ =	strace $0x8000004A;
	s10 =	sshrl.u32 s7, $0x3  }
0xa: {  	s7 =	sadd.s32 s7, s8;
	s30 =	sshrl.u32 s28, $0x2;
	s12 =	ssub.s32 s5, s29  }
0xb: {  	s10 =	sadd.s32 s10, s6;
	s7 =	sshrl.u32 s7, $0x3;
	s13 =	sadd.s32 s30, s2  }
0xc: {  	s9 =	sadd.s32 s4, s6;
	s4 =	sadd.s32 $0xC800, s6;
	s11 =	sadd.s32 s7, s6  }
0xd: {  	s5 =	sadd.s32 $0x11800, s10;
	s6 =	sor.u32 $0x1C02, s31;
	s7 =	sadd.s32 $0x2B000, s9  }
0xe: {  	s8 =	sadd.s32 $0x2A00, s9;
	s9 =	sadd.s32 $0x16800, s9;
	s10 =	sadd.s32 $0x20600, s11  }
0xf: {  	s11 =	smax.u32 s12, $0x1;
	s12 =	sshrl.u32 s13, $0x3;
	s13 =	simm.s32 $0x2  }
.LBB2_1:
0x10: {  	[spmem:s12], [sflag:s6] =	dma.local [hbm:s5], $0x500  }
0x11: {  	_ =	swait.ge [sflag:s13], $0x500  }
0x12: {  	[sflag:s13] =	ssyncset.done $0x0  }
0x13: {  	[sflag:s13] =	ssyncadd.s32 $0xFFFFFB00  }
0x14: {  	[bflag:$0x0] =	sbarrier.arrive $0xFFFF  }
0x15: {  	[tilespmem:s14], [sflag:$0x2] =	stream.linear.gather [hbm4b:s7+s3], $0x2780, $0x38;
	[tilespmem:$0xA680] =	vst v63  }
0x16: {  	_ =	swait.ge [sflag:s13], $0x2780  }
0x17: {  	[sflag:s13] =	ssyncset.done $0x0  }
0x18: {  	[sflag:s13] =	ssyncadd.s32 $0xFFFFD880  }
0x19: {  	[tilespmem:s15], [sflag:$0x2] =	stream.linear.gather [hbm4b:s8+s3], $0x2780, $0x38;
	[tilespmem:$0xA680] =	vst v63  }
0x1a: {  	_ =	swait.ge [sflag:s13], $0x2780  }
0x1b: {  	[sflag:s13] =	ssyncset.done $0x0  }
0x1c: {  	s20 =	simm.s32 $0x7700;
	[sflag:s13] =	ssyncadd.s32 $0xFFFFD880  }
0x1d: {  	[tilespmem:s20], [sflag:$0x2] =	stream.linear.gather [hbm4b:s9+s3], $0x2780, $0x38;
	[tilespmem:$0xA680] =	vst v63  }
0x1e: {  	_ =	swait.ge [sflag:s13], $0x2780  }
0x1f: {  	[sflag:s13] =	ssyncset.done $0x0  }
0x20: {  	s21 =	simm.s32 $0x0;
	[sflag:s13] =	ssyncadd.s32 $0xFFFFD880  }
.LBB2_2:
0x21: {  	s22 =	sshll.u32 s21, $0x7  }
0x22: {  	v0 =	vmov s20;
	s23 =	sadd.s32 $0x2800, s22  }
0x23: {  	[tilespmem:s17], [sflag:$0x1] =	stream.indirect.gather [hbm4b:s4+s16], $0x10, s23, s16, $0xb8;
	[tilespmem:$0xA680] =	vst v63  }
0x24: {  	_ =	swait.ge [sflag:s18], $0x800  }
0x25: {  	[sflag:s18] =	ssyncset.done $0x0  }
0x26: {  	s31 =	simm.s32 $0x0;
	[sflag:s18] =	ssyncadd.s32 $0xFFFFF800  }
0x27: {  	v1 =	vld.idx.msk [tilespmem:v0+s31+$0x0 ss:$0x1], $0xffff  }
0x28: {  	s23 =	simm.s32 $0x9F00  }
0x29: {  	v2 =	vld [tilespmem:s23+$0xFFFFFF80]  }
0x2a: {  	v3 =	vld [tilespmem:s23+$0xFFFFFF90]  }
0x2b: {  	v4 =	vld [tilespmem:s23+$0xFFFFFFA0]  }
0x2c: {  	v5 =	vld [tilespmem:s23+$0xFFFFFFB0];
	v6 =	vbroadcast v1, $0x0  }
0x2d: {  	v9 =	vld [tilespmem:s23+$0xFFFFFFD0];
	v7 =	vbroadcast v1, $0x1  }
0x2e: {  	v8 =	vld [tilespmem:s23+$0xFFFFFFC0];
	v10 =	vbroadcast v1, $0x2;
	v2 =	vmul.f32 v6, v2  }
0x2f: {  	v49 =	vld [tilespmem:s23+$0xFFFFFFE0];
	v48 =	vbroadcast v1, $0x3;
	v3 =	vmul.f32 v3, v7  }
0x30: {  	v51 =	vld [tilespmem:s23+$0x10];
	v50 =	vbroadcast v1, $0x5;
	v4 =	vmul.f32 v4, v10;
	[tilespmem:s23+$0xFFFFFF80] =	vst v2  }
0x31: {  	v11 =	vld [tilespmem:s23+$0xFFFFFFF0];
	v5 =	vmul.f32 v5, v48;
	v2 =	vbroadcast v1, $0x4;
	[tilespmem:s23+$0xFFFFFF90] =	vst v3  }
0x32: {  	v12 =	vbroadcast v1, $0x6;
	v6 =	vmul.f32 v9, v50;
	v3 =	vld [tilespmem:s23+$0x0];
	[tilespmem:s23+$0xFFFFFFA0] =	vst v4  }
0x33: {  	v57 =	vld [tilespmem:s23+$0x50];
	v55 =	vbroadcast v1, $0x9;
	[tilespmem:s23+$0xFFFFFFB0] =	vst v5;
	v2 =	vmul.f32 v8, v2  }
0x34: {  	v53 =	vld [tilespmem:s23+$0x20];
	v52 =	vbroadcast v1, $0x7;
	v7 =	vmul.f32 v49, v12;
	[tilespmem:s23+$0xFFFFFFD0] =	vst v6  }
0x35: {  	v54 =	vld [tilespmem:s23+$0x30];
	v59 =	vmul.f32 v51, v55;
	[tilespmem:s23+$0xFFFFFFC0] =	vst v2;
	v2 =	vbroadcast v1, $0x8  }
0x36: {  	v56 =	vld [tilespmem:s23+$0x40];
	v62 =	vbroadcast v1, $0xD;
	v4 =	vmul.f32 v11, v52;
	[tilespmem:s23+$0xFFFFFFE0] =	vst v7  }
0x37: {  	v60 =	vld [tilespmem:s23+$0x60];
	v58 =	vbroadcast v1, $0xA;
	[tilespmem:s23+$0x10] =	vst v59;
	v2 =	vmul.f32 v3, v2  }
0x38: {  	v61 =	vld [tilespmem:s23+$0x70];
	v5 =	vmul.f32 v57, v62;
	[tilespmem:s23+$0xFFFFFFF0] =	vst v4;
	v3 =	vbroadcast v1, $0xB  }
0x39: {  	v8 =	vmul.f32 v53, v58;
	[tilespmem:s23+$0x0] =	vst v2;
	v2 =	vbroadcast v1, $0xC  }
0x3a: {  	v63 =	vbroadcast v1, $0xE;
	[tilespmem:s23+$0x50] =	vst v5;
	v3 =	vmul.f32 v54, v3  }
0x3b: {  	[tilespmem:s23+$0x20] =	vst v8;
	v1 =	vbroadcast v1, $0xF;
	v2 =	vmul.f32 v56, v2  }
0x3c: {  	[tilespmem:s23+$0x30] =	vst v3;
	v3 =	vmul.f32 v60, v63  }
0x3d: {  	v1 =	vmul.f32 v61, v1;
	[tilespmem:s23+$0x40] =	vst v2  }
0x3e: {  	[tilespmem:s23+$0x60] =	vst v3  }
0x3f: {  	s25 =	simm.s32 $0x10;
	s24 =	simm.s32 $0x80;
	[tilespmem:s23+$0x70] =	vst v1  }
.LBB2_3:
0x40: {  	p0 =	sne.s32 s24, $0x1C0;
	v1 =	vld.idx.msk [tilespmem:v0+s25+$0x0 ss:$0x1], $0xffff;
	s23 =	sadd.s32 $0x100, s23  }
0x41: {  	v2 =	vld [tilespmem:s23+$0xFFFFFFB0]  }
0x42: {  	v3 =	vld [tilespmem:s23+$0xFFFFFF90]  }
0x43: {  	v4 =	vld [tilespmem:s23+$0xFFFFFF80]  }
0x44: {  	v5 =	vld [tilespmem:s23+$0xFFFFFFA0]  }
0x45: {  	v6 =	vld [tilespmem:s23+$0xFFFFFFF0]  }
0x46: {  	v7 =	vbroadcast v1, $0x0;
	v8 =	vbroadcast v1, $0x1;
	v9 =	vld [tilespmem:s23+$0xFFFFFFD0]  }
0x47: {  	v10 =	vbroadcast v1, $0x2;
	v11 =	vbroadcast v1, $0x3;
	v12 =	vld [tilespmem:s23+$0xFFFFFFC0]  }
0x48: {  	v3 =	vmul.f32 v3, v8;
	v4 =	vmul.f32 v7, v4;
	v7 =	vld [tilespmem:s23+$0xFFFFFFE0]  }
0x49: {  	v2 =	vmul.f32 v2, v11;
	v5 =	vmul.f32 v5, v10;
	v8 =	vld [tilespmem:s23+$0x30]  }
0x4a: {  	v10 =	vbroadcast v1, $0x5;
	[tilespmem:s23+$0xFFFFFF80] =	vst v4;
	v4 =	vbroadcast v1, $0x4;
	v11 =	vld [tilespmem:s23+$0x10]  }
0x4b: {  	v13 =	vbroadcast v1, $0x7;
	[tilespmem:s23+$0xFFFFFF90] =	vst v3;
	v3 =	vbroadcast v1, $0x6;
	v14 =	vld [tilespmem:s23+$0x0]  }
0x4c: {  	[tilespmem:s23+$0xFFFFFFA0] =	vst v5;
	v4 =	vmul.f32 v12, v4;
	v5 =	vmul.f32 v9, v10;
	v9 =	vld [tilespmem:s23+$0x20]  }
0x4d: {  	[tilespmem:s23+$0xFFFFFFB0] =	vst v2;
	v2 =	vmul.f32 v7, v3;
	v3 =	vmul.f32 v6, v13;
	v6 =	vld [tilespmem:s23+$0x70]  }
0x4e: {  	v7 =	vbroadcast v1, $0x9;
	[tilespmem:s23+$0xFFFFFFC0] =	vst v4;
	v4 =	vbroadcast v1, $0x8;
	v10 =	vld [tilespmem:s23+$0x50]  }
0x4f: {  	v12 =	vbroadcast v1, $0xB;
	[tilespmem:s23+$0xFFFFFFD0] =	vst v5;
	v5 =	vbroadcast v1, $0xA;
	v13 =	vld [tilespmem:s23+$0x40]  }
0x50: {  	[tilespmem:s23+$0xFFFFFFE0] =	vst v2;
	v2 =	vmul.f32 v14, v4;
	v4 =	vmul.f32 v11, v7;
	v7 =	vld [tilespmem:s23+$0x60]  }
0x51: {  	[tilespmem:s23+$0xFFFFFFF0] =	vst v3;
	v3 =	vmul.f32 v9, v5;
	v5 =	vmul.f32 v8, v12  }
0x52: {  	v8 =	vbroadcast v1, $0xD;
	[tilespmem:s23+$0x0] =	vst v2;
	v2 =	vbroadcast v1, $0xC  }
0x53: {  	[tilespmem:s23+$0x10] =	vst v4;
	v4 =	vbroadcast v1, $0xE;
	v1 =	vbroadcast v1, $0xF  }
0x54: {  	[tilespmem:s23+$0x20] =	vst v3;
	v2 =	vmul.f32 v13, v2;
	v3 =	vmul.f32 v10, v8  }
.Ltmp0:
0x55: {  	[tilespmem:s23+$0x30] =	vst v5;
	v4 =	vmul.f32 v7, v4;
	v1 =	vmul.f32 v6, v1;
	(pc) =	sbr.rel @p0 .LBB2_3-.Ltmp0, $4  }
0x56: {  	[tilespmem:s23+$0x40] =	vst v2  }
0x57: {  	[tilespmem:s23+$0x50] =	vst v3  }
0x58: {  	[tilespmem:s23+$0x60] =	vst v4  }
0x59: {  	s25 =	sshra.s32 s24, $0x2;
	s24 =	sadd.s32 $0x40, s24;
	[tilespmem:s23+$0x70] =	vst v1  }
0x5a: {  	_ =	sdelay $0x3  }
0x5b: {  	v0 =	vld.idx.msk [tilespmem:v0+s25+$0x0 ss:$0x1], $0xffff;
	_ =	sdelay $0x3  }
0x5c: {  	s23 =	sadd.s32 $0x100, s23  }
0x5d: {  	v1 =	vld [tilespmem:s23+$0xFFFFFF80];
	v5 =	vbroadcast v0, $0x0  }
0x5e: {  	v2 =	vld [tilespmem:s23+$0xFFFFFF90];
	v6 =	vbroadcast v0, $0x1;
	v9 =	vbroadcast v0, $0x2  }
0x5f: {  	v3 =	vld [tilespmem:s23+$0xFFFFFFA0];
	v42 =	vbroadcast v0, $0x3;
	v44 =	vbroadcast v0, $0x4  }
0x60: {  	v4 =	vld [tilespmem:s23+$0xFFFFFFB0];
	v45 =	vbroadcast v0, $0x5;
	v11 =	vbroadcast v0, $0x6  }
0x61: {  	v8 =	vld [tilespmem:s23+$0xFFFFFFD0];
	v48 =	vbroadcast v0, $0x7;
	v51 =	vbroadcast v0, $0x8  }
0x62: {  	v43 =	vld [tilespmem:s23+$0xFFFFFFE0];
	v52 =	vbroadcast v0, $0x9;
	v1 =	vmul.f32 v5, v1  }
0x63: {  	v47 =	vld [tilespmem:s23+$0x10];
	v55 =	vbroadcast v0, $0xA;
	v2 =	vmul.f32 v2, v6  }
0x64: {  	v58 =	vld [tilespmem:s23+$0x60];
	v56 =	vbroadcast v0, $0xB;
	v3 =	vmul.f32 v3, v9;
	[tilespmem:s23+$0xFFFFFF80] =	vst v1  }
0x65: {  	v59 =	vld [tilespmem:s23+$0x70];
	v60 =	vbroadcast v0, $0xC;
	v4 =	vmul.f32 v4, v42;
	[tilespmem:s23+$0xFFFFFF90] =	vst v2  }
0x66: {  	v7 =	vld [tilespmem:s23+$0xFFFFFFC0];
	v61 =	vbroadcast v0, $0xD;
	v5 =	vmul.f32 v8, v45;
	[tilespmem:s23+$0xFFFFFFA0] =	vst v3  }
0x67: {  	v10 =	vld [tilespmem:s23+$0xFFFFFFF0];
	v62 =	vbroadcast v0, $0xE;
	v6 =	vmul.f32 v43, v11;
	[tilespmem:s23+$0xFFFFFFB0] =	vst v4  }
0x68: {  	v49 =	vld [tilespmem:s23+$0x20];
	v0 =	vbroadcast v0, $0xF;
	v57 =	vmul.f32 v47, v52;
	[tilespmem:s23+$0xFFFFFFD0] =	vst v5  }
0x69: {  	v50 =	vld [tilespmem:s23+$0x30];
	v63 =	vmul.f32 v58, v62;
	[tilespmem:s23+$0xFFFFFFE0] =	vst v6  }
0x6a: {  	v46 =	vld [tilespmem:s23+$0x0];
	v0 =	vmul.f32 v59, v0;
	[tilespmem:s23+$0x10] =	vst v57  }
0x6b: {  	v54 =	vld [tilespmem:s23+$0x50];
	v1 =	vmul.f32 v7, v44;
	[tilespmem:s23+$0x60] =	vst v63  }
0x6c: {  	v53 =	vld [tilespmem:s23+$0x40];
	v3 =	vmul.f32 v10, v48;
	[tilespmem:s23+$0x70] =	vst v0  }
0x6d: {  	v7 =	vmul.f32 v49, v55;
	[tilespmem:s23+$0xFFFFFFC0] =	vst v1  }
0x6e: {  	v2 =	vmul.f32 v50, v56;
	[tilespmem:s23+$0xFFFFFFF0] =	vst v3  }
0x6f: {  	v1 =	vmul.f32 v46, v51;
	[tilespmem:s23+$0x20] =	vst v7  }
0x70: {  	v4 =	vmul.f32 v54, v61;
	[tilespmem:s23+$0x30] =	vst v2  }
0x71: {  	s21 =	sadd.s32 $0x1, s21;
	[tilespmem:s23+$0x0] =	vst v1;
	v1 =	vmul.f32 v53, v60  }
0x72: {  	p0 =	sne.s32 s21, $0x4F;
	[tilespmem:s23+$0x50] =	vst v4  }
.Ltmp1:
0x73: {  	s22 =	sadd.s32 $0x4F80, s22;
	[tilespmem:s23+$0x40] =	vst v1;
	(pc) =	sbr.rel @p0 .LBB2_2-.Ltmp1, $4  }
0x74: {  	[spmem:s2] =	stream.indirect.scatter.add.f32 [tilespmem:s17], [sflag:$0x2], $0x10, s22, s16, $0xb8;
	[tilespmem:$0xA680] =	vst v63  }
0x75: {  	_ =	swait.ge [sflag:s13], $0x800  }
0x76: {  	[sflag:s13] =	ssyncset.done $0x0  }
0x77: {  	s20 =	sadd.s32 $0x80, s20;
	[sflag:s13] =	ssyncadd.s32 $0xFFFFF800  }
0x78: {  	s19 =	sadd.s32 $0x1, s19  }
0x79: {  	p0 =	sne.s32 s19, s11  }
.Ltmp2:
0x7a: {  	[bflag:$0x0] =	sbarrier.arrive $0xFFFF;
	(pc) =	sbr.rel @p0 .LBB2_1-.Ltmp2, $4  }
0x7b: {  	[hbm:s10], [sflag:s6] =	dma.local [spmem:s12], $0x500  }
0x7c: {  	_ =	swait.ge [sflag:s13], $0x500  }
0x7d: {  	[sflag:s13] =	ssyncset.done $0x0  }
0x7e: {  	[sflag:s13] =	ssyncadd.s32 $0xFFFFFB00  }
0x7f: {  	_ =	sfence.sel $0x180000  }
0x80: {  	[bflag:$0x0] =	sbarrier.arrive $0xFFFF  }
0x81: {  	p0 =	sne.s32 s0, $0x0;
	_ =	strace $0x9000004A  }
0x82: {  	s0 =	sadd.s32 @!p0 $0x100000, s1;
	[bflag:$0x2] =	sbarrier.arrive $0xFFFF  }
0x83: {  	[sflag:s0] =	ssyncadd.tile.s32 @!p0 $0x1;
	_ =	shalt  }
.Lfunc_end2:
_tile_overlayer_lowered:
.L_overlay_start_2:
0x84: {  	(tag) =	ssettag $0x2  }
0x85: {  	s0 =	rddreg [dreg:$0x0];
	s2 =	stileid.u32  }
0x86: {  	s1 =	rddreg [dreg:$0x1];
	p0 =	sne.s32 s2, $0x0  }
0x87: {  	s3 =	rddreg [dreg:$0x2];
	[bflag:$0x3] =	sbarrier.arrive $0xFFFF;
	s2 =	simm.s32 @!p0 $0x1C02  }
0x88: {  	[timem:s3], [sflag:s2] =	dma.local @!p0 [hbm:s0], s1  }
0x89: {  	s0 =	simm.s32 @!p0 $0x2  }
0x8a: {  	_ =	swait.ge @!p0 [sflag:s0], s1  }
0x8b: {  	s1 =	ssub.s32 @!p0 $0x0, s1;
	[sflag:s0] =	ssyncset.done @!p0 $0x0  }
0x8c: {  	[sflag:s0] =	ssyncadd.s32 @!p0 s1  }
0x8d: {  	[bflag:$0x3] =	sbarrier.arrive $0xFFFF  }
0x8e: {  	_ =	shalt  }

// kernel: kernel.15.cloned.1.call-start
scs
__scs_entry_jumppad:
0x0: {  	(pc) =	sbr.rel $0x88, $3  }
0x1: {  	(tag) =	ssettag $0x0;
	lr =	simm.s32 $0x1  }
0x2: {  	[smem:$0x3F98] =	sst lr;
	_ =	strace $0xD0000000  }
0x3: {  	_ = 	snop  }
0x4: {  	_ = 	snop  }
0x5: {  	_ = 	snop  }
0x6: {  	_ = 	snop  }
0x7: {  	_ = 	snop  }
__scs_overlays_trampoline_lowered:
0x8: {  	[smem:$0x3FA7] =	sst s0  }
0x9: {  	[smem:$0x3FA8] =	sst s1  }
0xa: {  	[smem:$0x3FA9] =	sst s2  }
0xb: {  	[smem:$0x3FAA] =	sst s3  }
0xc: {  	[smem:$0x3FAB] =	sst s4  }
0xd: {  	[smem:$0x3FAC] =	sst s5  }
0xe: {  	[smem:$0x3FAD] =	sst s6  }
0xf: {  	[smem:$0x3FAE] =	sst s7  }
0x10: {  	[smem:$0x3FAF] =	sst s8  }
0x11: {  	[smem:$0x3FB0] =	sst s9;
	s0 =	simm.s32 @!p0 $0x0  }
0x12: {  	s1 =	sld [smem:$0x3F96];
	s0 =	simm.s32 @p0 $0x1  }
0x13: {  	[smem:$0x3FB1] =	sst s0;
	s0 =	simm.s32 @!p1 $0x0  }
0x14: {  	s2 =	sld [smem:$0x3F95];
	s0 =	simm.s32 @p1 $0x1  }
0x15: {  	[smem:$0x3FB2] =	sst s0;
	s0 =	simm.s32 @!p2 $0x0  }
0x16: {  	s3 =	sld [smem:$0x3FDB];
	s0 =	simm.s32 @p2 $0x1  }
0x17: {  	s4 =	simm.s32 $0x1BF5;
	[smem:$0x3FB4] =	sst s0  }
0x18: {  	s0 =	sld [smem:$0x3F97];
	_ =	swait.ge [sflag:s4], $0x0  }
0x19: {  	s7 =	sld [smem:$0x3F98]  }
0x1a: {  	s8 =	sadd.s32 $0xFFFFE003, lr  }
0x1b: {  	s9 =	sadd.s32 $0xFFFFFEF7, lr;
	s5 =	simm.s32 $0xFFFFFFFF;
	p2 =	slt.u32 s8, $0xFFFFF086  }
0x1c: {  	p1 =	slt.u32 s9, $0xF7A;
	s5 =	simm.s32 @!p2 $0x0  }
0x1d: {  	s5 =	simm.s32 @p1 $0x1;
	p0 =	seq.s32 s7, s2  }
0x1e: {  	s7 =	smul.u32 @!p0 $0xF7A, s2;
	p2 =	seq.s32 @!p0 s5, $0x0  }
0x1f: {  	s9 =	smul.u32 $0xF7A, s1;
	s8 =	simm.s32 @!p0 $0x1BF5;
	p2 =	por !p2, p0  }
0x20: {  	[sflag:s8] =	ssyncset.s32 @!p0 $0xFFFFF086;
	s6 =	sadd.s32 @!p0 s3, s7;
	s7 =	simm.s32 @!p0 $0x108  }
0x21: {  	s3 =	sadd.s32 s3, s9;
	s6 =	sadd.s32 @!p0 $0x88, s6;
	s7 =	simm.s32 @p2 $0x1082  }
0x22: {  	[simem:s7], [sflag:s8] =	dma.local @!p0 [hbm:s6], $0xF7A  }
0x23: {  	s9 =	sor.u32 $0xD0000000, s2;
	s6 =	simm.s32 $0x108;
	_ =	swait.ge @!p0 [sflag:s8], $0x0  }
0x24: {  	s3 =	sadd.s32 $0x88, s3;
	s6 =	simm.s32 @!p1 $0x1082;
	[sflag:s4] =	ssyncset.s32 $0xFFFFF086  }
0x25: {  	[simem:s6], [sflag:s4] =	dma.local [hbm:s3], $0xF7A  }
0x26: {  	[smem:$0x3F98] =	sst s1;
	(tag) =	ssettag s2;
	_ =	strace s9  }
0x27: {  	s1 =	sld [smem:$0x3FA8]  }
0x28: {  	s2 =	sld [smem:$0x3FA9]  }
0x29: {  	s4 =	sld [smem:$0x3FAB]  }
0x2a: {  	p0 =	seq.s32 s5, $0x0;
	s5 =	sld [smem:$0x3FAC]  }
0x2b: {  	s6 =	sld [smem:$0x3FAD]  }
0x2c: {  	s7 =	sld [smem:$0x3FAE]  }
0x2d: {  	s3 =	simm.s32 $0x108;
	s8 =	sld [smem:$0x3FAF]  }
0x2e: {  	s3 =	simm.s32 @!p0 $0x1082;
	s9 =	sld [smem:$0x3FB0]  }
0x2f: {  	lr =	sadd.s32 s0, s3;
	s0 =	sld [smem:$0x3FA7]  }
0x30: {  	s3 =	sld [smem:$0x3FAA]  }
0x31: {  	[smem:$0x3FB3] =	sst s10  }
0x32: {  	s10 =	sld [smem:$0x3FB1];
	_ =	sdelay $0x3  }
0x33: {  	p0 =	seq.s32 s10, $0x1;
	s10 =	sld [smem:$0x3FB3];
	_ =	sdelay $0x3  }
0x34: {  	[smem:$0x3FB3] =	sst s10  }
0x35: {  	s10 =	sld [smem:$0x3FB2];
	_ =	sdelay $0x3  }
0x36: {  	p1 =	seq.s32 s10, $0x1;
	s10 =	sld [smem:$0x3FB3];
	_ =	sdelay $0x3  }
0x37: {  	[smem:$0x3FB3] =	sst s10  }
0x38: {  	s10 =	sld [smem:$0x3FB4]  }
0x39: {  	_ = 	snop;
	(pc) =	sbr.ind lr, $3  }
0x3a: {  	_ = 	snop  }
0x3b: {  	_ = 	snop  }
0x3c: {  	p2 =	seq.s32 s10, $0x1;
	s10 =	sld [smem:$0x3FB3]  }
0x3d: {  	_ =	shalt  }
0x3e: {  	_ =	shalt  }
0x3f: {  	_ =	shalt  }
0x40: {  	_ =	shalt  }
0x41: {  	_ =	shalt  }
0x42: {  	_ =	shalt  }
0x43: {  	_ =	shalt  }
0x44: {  	_ =	shalt  }
0x45: {  	_ =	shalt  }
0x46: {  	_ =	shalt  }
0x47: {  	_ =	shalt  }
0x48: {  	_ =	shalt  }
0x49: {  	_ =	shalt  }
0x4a: {  	_ =	shalt  }
0x4b: {  	_ =	shalt  }
0x4c: {  	_ =	shalt  }
0x4d: {  	_ =	shalt  }
0x4e: {  	_ =	shalt  }
0x4f: {  	_ =	shalt  }
0x50: {  	_ =	shalt  }
0x51: {  	_ =	shalt  }
0x52: {  	_ =	shalt  }
0x53: {  	_ =	shalt  }
0x54: {  	_ =	shalt  }
0x55: {  	_ =	shalt  }
0x56: {  	_ =	shalt  }
0x57: {  	_ =	shalt  }
0x58: {  	_ =	shalt  }
0x59: {  	_ =	shalt  }
0x5a: {  	_ =	shalt  }
0x5b: {  	_ =	shalt  }
0x5c: {  	_ =	shalt  }
0x5d: {  	_ =	shalt  }
0x5e: {  	_ =	shalt  }
0x5f: {  	_ =	shalt  }
0x60: {  	_ =	shalt  }
0x61: {  	_ =	shalt  }
0x62: {  	_ =	shalt  }
0x63: {  	_ =	shalt  }
0x64: {  	_ =	shalt  }
0x65: {  	_ =	shalt  }
0x66: {  	_ =	shalt  }
0x67: {  	_ =	shalt  }
0x68: {  	_ =	shalt  }
0x69: {  	_ =	shalt  }
0x6a: {  	_ =	shalt  }
0x6b: {  	_ =	shalt  }
0x6c: {  	_ =	shalt  }
0x6d: {  	_ =	shalt  }
0x6e: {  	_ =	shalt  }
0x6f: {  	_ =	shalt  }
0x70: {  	_ =	shalt  }
0x71: {  	_ =	shalt  }
0x72: {  	_ =	shalt  }
0x73: {  	_ =	shalt  }
0x74: {  	_ =	shalt  }
0x75: {  	_ =	shalt  }
0x76: {  	_ =	shalt  }
0x77: {  	_ =	shalt  }
0x78: {  	_ =	shalt  }
0x79: {  	_ =	shalt  }
0x7a: {  	_ =	shalt  }
0x7b: {  	_ =	shalt  }
0x7c: {  	_ =	shalt  }
0x7d: {  	_ =	shalt  }
0x7e: {  	_ =	shalt  }
0x7f: {  	_ =	shalt  }
0x80: {  	_ =	shalt  }
0x81: {  	_ =	shalt  }
0x82: {  	_ =	shalt  }
0x83: {  	_ =	shalt  }
0x84: {  	_ =	shalt  }
0x85: {  	_ =	shalt  }
0x86: {  	_ =	shalt  }
0x87: {  	_ =	shalt  }
.Lfunc_end0:
.L_simem_size_0:
called_computation.2_lowered:
.L_overlay_start_0:
0x88: {  	s2 =	sld [smem:$0x3FD9]  }
0x89: {  	s3 =	sld [smem:$0x3FFE];
	_ =	sdelay $0x1  }
0x8a: {  	s1 =	srdreg.scid  }
0x8b: {  	s0 =	sand.u32 $0x1, s1  }
0x8c: {  	s16 =	sshll.u32 s0, $0xA;
	s2 =	sadd.s32 s3, s2  }
0x8d: {  	s2 =	sadd.s32 s2, s16  }
0x8e: {  	[smem:$0x3FBF] =	sst s2  }
0x8f: {  	_ = 	snop  }
0x90: {  	(tm) =	ssettm $0x1  }
0x91: {  	s17 =	sld [smem:$0x3FFB];
	_ =	sdelay $0x3  }
0x92: {  	_ =	strace s17  }
0x93: {  	s2 =	sld [smem:$0x3FFC];
	_ =	sdelay $0x3  }
0x94: {  	_ =	strace s2  }
0x95: {  	s2 =	sld [smem:$0x3FFD];
	_ =	sdelay $0x3  }
0x96: {  	_ =	strace s2  }
0x97: {  	_ =	strace $0x8FFFFFFF  }
0x98: {  	s18 =	sld [smem:$0x3FDB];
	_ =	sdelay $0x1  }
0x99: {  	s19 =	simm.s32 $_scs_section_size  }
0x9a: {  	s4 =	simm.s32 $_size__tile_overlayer_lowered;
	s5 =	simm.s32 $_tile_overlayer_lowered  }
0x9b: {  	s22 =	simm.s32 $0x1BFF;
	s21 =	sshll.u32 s5, $0x1;
	s2 =	sadd.s32 s19, s18  }
0x9c: {  	s6 =	simm.s32 $0x0;
	s20 =	sshll.u32 s4, $0x1;
	s4 =	sadd.s32 s21, s2  }
0x9d: {  	[timem:s6], [sflag:s22] =	dma.local [hbm:s4], s20  }
0x9e: {  	_ =	swait.ge [sflag:s22], s20  }
0x9f: {  	s3 =	ssub.s32 $0x0, s20;
	[sflag:s22] =	ssyncset.done $0x0  }
0xa0: {  	[sflag:s22] =	ssyncadd.s32 s3;
	_ =	sdelay $0x1  }
0xa1: {  	s23 =	simm.s32 $0x1B8B  }
0xa2: {  	_ =	swait.ge [sflag:s23], $0x1  }
0xa3: {  	[sflag:s23] =	ssyncset.done $0x0  }
0xa4: {  	s25 =	simm.s32 $0x1B8E;
	s24 =	sld [smem:$0x3FFE];
	[sflag:s23] =	ssyncadd.s32 $0xFFFFFFFF  }
0xa5: {  	s26 =	simm.s32 $execute0_lowered;
	[smem:$0x3FD2] =	sst s25  }
0xa6: {  	s4 =	sshll.u32 s26, $0x1;
	_ =	strace $0x8000004C;
	[dreg:$0x1] =	wrdreg $0xFFFFFFFF  }
0xa7: {  	s28 =	simm.s32 $_size_execute0_lowered;
	s2 =	sadd.s32 s2, s4;
	[dreg:$0x0] =	wrdreg $0x0  }
0xa8: {  	s4 =	sshll.u32 s28, $0x1;
	[dreg:$0x2] =	wrdreg s2  }
0xa9: {  	[dreg:$0x3] =	wrdreg s4  }
0xaa: {  	[dreg:$0x4] =	wrdreg $0xC0  }
0xab: {  	_ =	task [dreg:s6], $0x5FFFF  }
0xac: {  	[dreg:$0x1] =	wrdreg $0xFFFFFFFF  }
0xad: {  	[dreg:$0x0] =	wrdreg $0x60  }
0xae: {  	[dreg:$0x2] =	wrdreg s24  }
0xaf: {  	[dreg:$0x3] =	wrdreg $0x0  }
0xb0: {  	[dreg:$0x4] =	wrdreg $0x9  }
0xb1: {  	_ =	task.clear_ibuf [dreg:s6], $0x5FFFF;
	_ =	strace $0x9000004C  }
0xb2: {  	s29 =	simm.s32 $0x9;
	_ =	strace $0x8000004E  }
0xb3: {  	_ =	swait.ge [sflag:s29], $0x1  }
0xb4: {  	[sflag:s29] =	ssyncadd.s32 $0xFFFFFFFF  }
0xb5: {  	_ =	strace $0x9000004E  }
0xb6: {  	_ =	sfence  }
0xb7: {  	s30 =	sld [smem:$0x0];
	_ =	sdelay $0x2  }
0xb8: {  	s31 =	sshll.u32 s1, $0xD;
	s1 =	sshrl.u32 s1, $0x2  }
0xb9: {  	s3 =	sand.u32 $0x4000, s31;
	s1 =	sadd.s32 s1, s30  }
0xba: {  	s0 =	sor.u32 s3, s0;
	s1 =	sshll.u32 s1, $0x11  }
0xbb: {  	s0 =	sor.u32 s1, s0  }
0xbc: {  	s0 =	sadd.s32 $0x8F2B, s0  }
0xbd: {  	[sflag:s0] =	ssyncadd.remote.s32 $0x1  }
0xbe: {  	_ =	sfence.sel $0xFFFF  }
0xbf: {  	[dreg:$0x0] =	wrdreg $0xFFFFFFFF;
	(pc) =	sbr.abs _section_cstart, $3  }
0xc0: {  	[dreg:$0x1] =	wrdreg $0xFFFFFFFF  }
0xc1: {  	_ =	task.clear_ibuf [dreg:s6], $0x2FFFF;
	_ =	strace $0x9FFFFFFF  }
0xc2: {  	(tm) =	ssettm $0x7FFFFFFF  }
0xc3: {  	_ =	shalt  }
tec
execute0_lowered:
.L_overlay_start_1:
0x0: {  	(tag) =	ssettag $0x1  }
0x1: {  	s6 =	rddreg [dreg:$0x0]  }
0x2: {  	s0 =	srdreg.scid;
	s2 =	rddreg [dreg:$0x1];
	s3 =	simm.s32 $0x0  }
0x3: {  	s14 =	simm.s32 $0x2800;
	s15 =	simm.s32 $0x4F80;
	s16 =	simm.s32 $0x80  }
0x4: {  	s17 =	simm.s32 $0x9E80;
	s5 =	sand.u32 $0x1, s0;
	s0 =	stileid.u32  }
0x5: {  	s18 =	simm.s32 $0x1;
	s19 =	simm.s32 $0x0;
	s7 =	smul.u32 $0x2800, s0  }
0x6: {  	[smem:$0x7FF] =	sst s3;
	s1 =	sshll.u32 s5, $0x4;
	s8 =	smul.u32 $0x28000, s5  }
0x7: {  	s28 =	smul.u32 $0xA000, s0;
	s5 =	ssub.s32 $0x2, s5;
	s1 =	sor.u32 s0, s1  }
0x8: {  	s31 =	sshll.u32 s0, $0x6;
	s29 =	sshrl.u32 s5, $0x1;
	s4 =	smul.u32 $0x4F0, s1  }
0x9: {  	s1 =	rddreg [dreg:$0x2];
	_ =	strace $0x8000004D;
	s10 =	sshrl.u32 s7, $0x3  }
0xa: {  	s7 =	sadd.s32 s7, s8;
	s30 =	sshrl.u32 s28, $0x2;
	s12 =	ssub.s32 s5, s29  }
0xb: {  	s10 =	sadd.s32 s10, s6;
	s7 =	sshrl.u32 s7, $0x3;
	s13 =	sadd.s32 s30, s2  }
0xc: {  	s9 =	sadd.s32 s4, s6;
	s4 =	sadd.s32 $0xC800, s6;
	s11 =	sadd.s32 s7, s6  }
0xd: {  	s5 =	sadd.s32 $0x11800, s10;
	s6 =	sor.u32 $0x1C02, s31;
	s7 =	sadd.s32 $0x2B000, s9  }
0xe: {  	s8 =	sadd.s32 $0x2A00, s9;
	s9 =	sadd.s32 $0x16800, s9;
	s10 =	sadd.s32 $0x20600, s11  }
0xf: {  	s11 =	smax.u32 s12, $0x1;
	s12 =	sshrl.u32 s13, $0x3;
	s13 =	simm.s32 $0x2  }
.LBB2_1:
0x10: {  	[spmem:s12], [sflag:s6] =	dma.local [hbm:s5], $0x500  }
0x11: {  	_ =	swait.ge [sflag:s13], $0x500  }
0x12: {  	[sflag:s13] =	ssyncset.done $0x0  }
0x13: {  	[sflag:s13] =	ssyncadd.s32 $0xFFFFFB00  }
0x14: {  	[bflag:$0x0] =	sbarrier.arrive $0xFFFF  }
0x15: {  	[tilespmem:s14], [sflag:$0x2] =	stream.linear.gather [hbm4b:s7+s3], $0x2780, $0x38;
	[tilespmem:$0xA680] =	vst v63  }
0x16: {  	_ =	swait.ge [sflag:s13], $0x2780  }
0x17: {  	[sflag:s13] =	ssyncset.done $0x0  }
0x18: {  	[sflag:s13] =	ssyncadd.s32 $0xFFFFD880  }
0x19: {  	[tilespmem:s15], [sflag:$0x2] =	stream.linear.gather [hbm4b:s8+s3], $0x2780, $0x38;
	[tilespmem:$0xA680] =	vst v63  }
0x1a: {  	_ =	swait.ge [sflag:s13], $0x2780  }
0x1b: {  	[sflag:s13] =	ssyncset.done $0x0  }
0x1c: {  	s20 =	simm.s32 $0x7700;
	[sflag:s13] =	ssyncadd.s32 $0xFFFFD880  }
0x1d: {  	[tilespmem:s20], [sflag:$0x2] =	stream.linear.gather [hbm4b:s9+s3], $0x2780, $0x38;
	[tilespmem:$0xA680] =	vst v63  }
0x1e: {  	_ =	swait.ge [sflag:s13], $0x2780  }
0x1f: {  	[sflag:s13] =	ssyncset.done $0x0  }
0x20: {  	s21 =	simm.s32 $0x0;
	[sflag:s13] =	ssyncadd.s32 $0xFFFFD880  }
.LBB2_2:
0x21: {  	s22 =	sshll.u32 s21, $0x7  }
0x22: {  	v0 =	vmov s20;
	s23 =	sadd.s32 $0x2800, s22  }
0x23: {  	[tilespmem:s17], [sflag:$0x1] =	stream.indirect.gather [hbm4b:s4+s16], $0x10, s23, s16, $0xb8;
	[tilespmem:$0xA680] =	vst v63  }
0x24: {  	_ =	swait.ge [sflag:s18], $0x800  }
0x25: {  	[sflag:s18] =	ssyncset.done $0x0  }
0x26: {  	s31 =	simm.s32 $0x0;
	[sflag:s18] =	ssyncadd.s32 $0xFFFFF800  }
0x27: {  	v1 =	vld.idx.msk [tilespmem:v0+s31+$0x0 ss:$0x1], $0xffff  }
0x28: {  	s23 =	simm.s32 $0x9F00  }
0x29: {  	v2 =	vld [tilespmem:s23+$0xFFFFFF80]  }
0x2a: {  	v3 =	vld [tilespmem:s23+$0xFFFFFF90]  }
0x2b: {  	v4 =	vld [tilespmem:s23+$0xFFFFFFA0]  }
0x2c: {  	v5 =	vld [tilespmem:s23+$0xFFFFFFB0];
	v6 =	vbroadcast v1, $0x0  }
0x2d: {  	v9 =	vld [tilespmem:s23+$0xFFFFFFD0];
	v7 =	vbroadcast v1, $0x1  }
0x2e: {  	v8 =	vld [tilespmem:s23+$0xFFFFFFC0];
	v10 =	vbroadcast v1, $0x2;
	v2 =	vmul.f32 v6, v2  }
0x2f: {  	v49 =	vld [tilespmem:s23+$0xFFFFFFE0];
	v48 =	vbroadcast v1, $0x3;
	v3 =	vmul.f32 v3, v7  }
0x30: {  	v51 =	vld [tilespmem:s23+$0x10];
	v50 =	vbroadcast v1, $0x5;
	v4 =	vmul.f32 v4, v10;
	[tilespmem:s23+$0xFFFFFF80] =	vst v2  }
0x31: {  	v11 =	vld [tilespmem:s23+$0xFFFFFFF0];
	v5 =	vmul.f32 v5, v48;
	v2 =	vbroadcast v1, $0x4;
	[tilespmem:s23+$0xFFFFFF90] =	vst v3  }
0x32: {  	v12 =	vbroadcast v1, $0x6;
	v6 =	vmul.f32 v9, v50;
	v3 =	vld [tilespmem:s23+$0x0];
	[tilespmem:s23+$0xFFFFFFA0] =	vst v4  }
0x33: {  	v57 =	vld [tilespmem:s23+$0x50];
	v55 =	vbroadcast v1, $0x9;
	[tilespmem:s23+$0xFFFFFFB0] =	vst v5;
	v2 =	vmul.f32 v8, v2  }
0x34: {  	v53 =	vld [tilespmem:s23+$0x20];
	v52 =	vbroadcast v1, $0x7;
	v7 =	vmul.f32 v49, v12;
	[tilespmem:s23+$0xFFFFFFD0] =	vst v6  }
0x35: {  	v54 =	vld [tilespmem:s23+$0x30];
	v59 =	vmul.f32 v51, v55;
	[tilespmem:s23+$0xFFFFFFC0] =	vst v2;
	v2 =	vbroadcast v1, $0x8  }
0x36: {  	v56 =	vld [tilespmem:s23+$0x40];
	v62 =	vbroadcast v1, $0xD;
	v4 =	vmul.f32 v11, v52;
	[tilespmem:s23+$0xFFFFFFE0] =	vst v7  }
0x37: {  	v60 =	vld [tilespmem:s23+$0x60];
	v58 =	vbroadcast v1, $0xA;
	[tilespmem:s23+$0x10] =	vst v59;
	v2 =	vmul.f32 v3, v2  }
0x38: {  	v61 =	vld [tilespmem:s23+$0x70];
	v5 =	vmul.f32 v57, v62;
	[tilespmem:s23+$0xFFFFFFF0] =	vst v4;
	v3 =	vbroadcast v1, $0xB  }
0x39: {  	v8 =	vmul.f32 v53, v58;
	[tilespmem:s23+$0x0] =	vst v2;
	v2 =	vbroadcast v1, $0xC  }
0x3a: {  	v63 =	vbroadcast v1, $0xE;
	[tilespmem:s23+$0x50] =	vst v5;
	v3 =	vmul.f32 v54, v3  }
0x3b: {  	[tilespmem:s23+$0x20] =	vst v8;
	v1 =	vbroadcast v1, $0xF;
	v2 =	vmul.f32 v56, v2  }
0x3c: {  	[tilespmem:s23+$0x30] =	vst v3;
	v3 =	vmul.f32 v60, v63  }
0x3d: {  	v1 =	vmul.f32 v61, v1;
	[tilespmem:s23+$0x40] =	vst v2  }
0x3e: {  	[tilespmem:s23+$0x60] =	vst v3  }
0x3f: {  	s25 =	simm.s32 $0x10;
	s24 =	simm.s32 $0x80;
	[tilespmem:s23+$0x70] =	vst v1  }
.LBB2_3:
0x40: {  	p0 =	sne.s32 s24, $0x1C0;
	v1 =	vld.idx.msk [tilespmem:v0+s25+$0x0 ss:$0x1], $0xffff;
	s23 =	sadd.s32 $0x100, s23  }
0x41: {  	v2 =	vld [tilespmem:s23+$0xFFFFFFB0]  }
0x42: {  	v3 =	vld [tilespmem:s23+$0xFFFFFF90]  }
0x43: {  	v4 =	vld [tilespmem:s23+$0xFFFFFF80]  }
0x44: {  	v5 =	vld [tilespmem:s23+$0xFFFFFFA0]  }
0x45: {  	v6 =	vld [tilespmem:s23+$0xFFFFFFF0]  }
0x46: {  	v7 =	vbroadcast v1, $0x0;
	v8 =	vbroadcast v1, $0x1;
	v9 =	vld [tilespmem:s23+$0xFFFFFFD0]  }
0x47: {  	v10 =	vbroadcast v1, $0x2;
	v11 =	vbroadcast v1, $0x3;
	v12 =	vld [tilespmem:s23+$0xFFFFFFC0]  }
0x48: {  	v3 =	vmul.f32 v3, v8;
	v4 =	vmul.f32 v7, v4;
	v7 =	vld [tilespmem:s23+$0xFFFFFFE0]  }
0x49: {  	v2 =	vmul.f32 v2, v11;
	v5 =	vmul.f32 v5, v10;
	v8 =	vld [tilespmem:s23+$0x30]  }
0x4a: {  	v10 =	vbroadcast v1, $0x5;
	[tilespmem:s23+$0xFFFFFF80] =	vst v4;
	v4 =	vbroadcast v1, $0x4;
	v11 =	vld [tilespmem:s23+$0x10]  }
0x4b: {  	v13 =	vbroadcast v1, $0x7;
	[tilespmem:s23+$0xFFFFFF90] =	vst v3;
	v3 =	vbroadcast v1, $0x6;
	v14 =	vld [tilespmem:s23+$0x0]  }
0x4c: {  	[tilespmem:s23+$0xFFFFFFA0] =	vst v5;
	v4 =	vmul.f32 v12, v4;
	v5 =	vmul.f32 v9, v10;
	v9 =	vld [tilespmem:s23+$0x20]  }
0x4d: {  	[tilespmem:s23+$0xFFFFFFB0] =	vst v2;
	v2 =	vmul.f32 v7, v3;
	v3 =	vmul.f32 v6, v13;
	v6 =	vld [tilespmem:s23+$0x70]  }
0x4e: {  	v7 =	vbroadcast v1, $0x9;
	[tilespmem:s23+$0xFFFFFFC0] =	vst v4;
	v4 =	vbroadcast v1, $0x8;
	v10 =	vld [tilespmem:s23+$0x50]  }
0x4f: {  	v12 =	vbroadcast v1, $0xB;
	[tilespmem:s23+$0xFFFFFFD0] =	vst v5;
	v5 =	vbroadcast v1, $0xA;
	v13 =	vld [tilespmem:s23+$0x40]  }
0x50: {  	[tilespmem:s23+$0xFFFFFFE0] =	vst v2;
	v2 =	vmul.f32 v14, v4;
	v4 =	vmul.f32 v11, v7;
	v7 =	vld [tilespmem:s23+$0x60]  }
0x51: {  	[tilespmem:s23+$0xFFFFFFF0] =	vst v3;
	v3 =	vmul.f32 v9, v5;
	v5 =	vmul.f32 v8, v12  }
0x52: {  	v8 =	vbroadcast v1, $0xD;
	[tilespmem:s23+$0x0] =	vst v2;
	v2 =	vbroadcast v1, $0xC  }
0x53: {  	[tilespmem:s23+$0x10] =	vst v4;
	v4 =	vbroadcast v1, $0xE;
	v1 =	vbroadcast v1, $0xF  }
0x54: {  	[tilespmem:s23+$0x20] =	vst v3;
	v2 =	vmul.f32 v13, v2;
	v3 =	vmul.f32 v10, v8  }
.Ltmp0:
0x55: {  	[tilespmem:s23+$0x30] =	vst v5;
	v4 =	vmul.f32 v7, v4;
	v1 =	vmul.f32 v6, v1;
	(pc) =	sbr.rel @p0 .LBB2_3-.Ltmp0, $4  }
0x56: {  	[tilespmem:s23+$0x40] =	vst v2  }
0x57: {  	[tilespmem:s23+$0x50] =	vst v3  }
0x58: {  	[tilespmem:s23+$0x60] =	vst v4  }
0x59: {  	s25 =	sshra.s32 s24, $0x2;
	s24 =	sadd.s32 $0x40, s24;
	[tilespmem:s23+$0x70] =	vst v1  }
0x5a: {  	_ =	sdelay $0x3  }
0x5b: {  	v0 =	vld.idx.msk [tilespmem:v0+s25+$0x0 ss:$0x1], $0xffff;
	_ =	sdelay $0x3  }
0x5c: {  	s23 =	sadd.s32 $0x100, s23  }
0x5d: {  	v1 =	vld [tilespmem:s23+$0xFFFFFF80];
	v5 =	vbroadcast v0, $0x0  }
0x5e: {  	v2 =	vld [tilespmem:s23+$0xFFFFFF90];
	v6 =	vbroadcast v0, $0x1;
	v9 =	vbroadcast v0, $0x2  }
0x5f: {  	v3 =	vld [tilespmem:s23+$0xFFFFFFA0];
	v42 =	vbroadcast v0, $0x3;
	v44 =	vbroadcast v0, $0x4  }
0x60: {  	v4 =	vld [tilespmem:s23+$0xFFFFFFB0];
	v45 =	vbroadcast v0, $0x5;
	v11 =	vbroadcast v0, $0x6  }
0x61: {  	v8 =	vld [tilespmem:s23+$0xFFFFFFD0];
	v48 =	vbroadcast v0, $0x7;
	v51 =	vbroadcast v0, $0x8  }
0x62: {  	v43 =	vld [tilespmem:s23+$0xFFFFFFE0];
	v52 =	vbroadcast v0, $0x9;
	v1 =	vmul.f32 v5, v1  }
0x63: {  	v47 =	vld [tilespmem:s23+$0x10];
	v55 =	vbroadcast v0, $0xA;
	v2 =	vmul.f32 v2, v6  }
0x64: {  	v58 =	vld [tilespmem:s23+$0x60];
	v56 =	vbroadcast v0, $0xB;
	v3 =	vmul.f32 v3, v9;
	[tilespmem:s23+$0xFFFFFF80] =	vst v1  }
0x65: {  	v59 =	vld [tilespmem:s23+$0x70];
	v60 =	vbroadcast v0, $0xC;
	v4 =	vmul.f32 v4, v42;
	[tilespmem:s23+$0xFFFFFF90] =	vst v2  }
0x66: {  	v7 =	vld [tilespmem:s23+$0xFFFFFFC0];
	v61 =	vbroadcast v0, $0xD;
	v5 =	vmul.f32 v8, v45;
	[tilespmem:s23+$0xFFFFFFA0] =	vst v3  }
0x67: {  	v10 =	vld [tilespmem:s23+$0xFFFFFFF0];
	v62 =	vbroadcast v0, $0xE;
	v6 =	vmul.f32 v43, v11;
	[tilespmem:s23+$0xFFFFFFB0] =	vst v4  }
0x68: {  	v49 =	vld [tilespmem:s23+$0x20];
	v0 =	vbroadcast v0, $0xF;
	v57 =	vmul.f32 v47, v52;
	[tilespmem:s23+$0xFFFFFFD0] =	vst v5  }
0x69: {  	v50 =	vld [tilespmem:s23+$0x30];
	v63 =	vmul.f32 v58, v62;
	[tilespmem:s23+$0xFFFFFFE0] =	vst v6  }
0x6a: {  	v46 =	vld [tilespmem:s23+$0x0];
	v0 =	vmul.f32 v59, v0;
	[tilespmem:s23+$0x10] =	vst v57  }
0x6b: {  	v54 =	vld [tilespmem:s23+$0x50];
	v1 =	vmul.f32 v7, v44;
	[tilespmem:s23+$0x60] =	vst v63  }
0x6c: {  	v53 =	vld [tilespmem:s23+$0x40];
	v3 =	vmul.f32 v10, v48;
	[tilespmem:s23+$0x70] =	vst v0  }
0x6d: {  	v7 =	vmul.f32 v49, v55;
	[tilespmem:s23+$0xFFFFFFC0] =	vst v1  }
0x6e: {  	v2 =	vmul.f32 v50, v56;
	[tilespmem:s23+$0xFFFFFFF0] =	vst v3  }
0x6f: {  	v1 =	vmul.f32 v46, v51;
	[tilespmem:s23+$0x20] =	vst v7  }
0x70: {  	v4 =	vmul.f32 v54, v61;
	[tilespmem:s23+$0x30] =	vst v2  }
0x71: {  	s21 =	sadd.s32 $0x1, s21;
	[tilespmem:s23+$0x0] =	vst v1;
	v1 =	vmul.f32 v53, v60  }
0x72: {  	p0 =	sne.s32 s21, $0x4F;
	[tilespmem:s23+$0x50] =	vst v4  }
.Ltmp1:
0x73: {  	s22 =	sadd.s32 $0x4F80, s22;
	[tilespmem:s23+$0x40] =	vst v1;
	(pc) =	sbr.rel @p0 .LBB2_2-.Ltmp1, $4  }
0x74: {  	[spmem:s2] =	stream.indirect.scatter.add.f32 [tilespmem:s17], [sflag:$0x2], $0x10, s22, s16, $0xb8;
	[tilespmem:$0xA680] =	vst v63  }
0x75: {  	_ =	swait.ge [sflag:s13], $0x800  }
0x76: {  	[sflag:s13] =	ssyncset.done $0x0  }
0x77: {  	s20 =	sadd.s32 $0x80, s20;
	[sflag:s13] =	ssyncadd.s32 $0xFFFFF800  }
0x78: {  	s19 =	sadd.s32 $0x1, s19  }
0x79: {  	p0 =	sne.s32 s19, s11  }
.Ltmp2:
0x7a: {  	[bflag:$0x0] =	sbarrier.arrive $0xFFFF;
	(pc) =	sbr.rel @p0 .LBB2_1-.Ltmp2, $4  }
0x7b: {  	[hbm:s10], [sflag:s6] =	dma.local [spmem:s12], $0x500  }
0x7c: {  	_ =	swait.ge [sflag:s13], $0x500  }
0x7d: {  	[sflag:s13] =	ssyncset.done $0x0  }
0x7e: {  	[sflag:s13] =	ssyncadd.s32 $0xFFFFFB00  }
0x7f: {  	_ =	sfence.sel $0x180000  }
0x80: {  	[bflag:$0x0] =	sbarrier.arrive $0xFFFF  }
0x81: {  	p0 =	sne.s32 s0, $0x0;
	_ =	strace $0x9000004D  }
0x82: {  	s0 =	sadd.s32 @!p0 $0x100000, s1;
	[bflag:$0x2] =	sbarrier.arrive $0xFFFF  }
0x83: {  	[sflag:s0] =	ssyncadd.tile.s32 @!p0 $0x1;
	_ =	shalt  }
.Lfunc_end2:
_tile_overlayer_lowered:
.L_overlay_start_2:
0x84: {  	(tag) =	ssettag $0x2  }
0x85: {  	s0 =	rddreg [dreg:$0x0];
	s2 =	stileid.u32  }
0x86: {  	s1 =	rddreg [dreg:$0x1];
	p0 =	sne.s32 s2, $0x0  }
0x87: {  	s3 =	rddreg [dreg:$0x2];
	[bflag:$0x3] =	sbarrier.arrive $0xFFFF;
	s2 =	simm.s32 @!p0 $0x1C02  }
0x88: {  	[timem:s3], [sflag:s2] =	dma.local @!p0 [hbm:s0], s1  }
0x89: {  	s0 =	simm.s32 @!p0 $0x2  }
0x8a: {  	_ =	swait.ge @!p0 [sflag:s0], s1  }
0x8b: {  	s1 =	ssub.s32 @!p0 $0x0, s1;
	[sflag:s0] =	ssyncset.done @!p0 $0x0  }
0x8c: {  	[sflag:s0] =	ssyncadd.s32 @!p0 s1  }
0x8d: {  	[bflag:$0x3] =	sbarrier.arrive $0xFFFF  }
0x8e: {  	_ =	shalt  }

// kernel: kernel.9.cloned.1.call-start
scs
__scs_entry_jumppad:
0x0: {  	(pc) =	sbr.rel $0x88, $3  }
0x1: {  	(tag) =	ssettag $0x0;
	lr =	simm.s32 $0x1  }
0x2: {  	[smem:$0x3F98] =	sst lr;
	_ =	strace $0xD0000000  }
0x3: {  	_ = 	snop  }
0x4: {  	_ = 	snop  }
0x5: {  	_ = 	snop  }
0x6: {  	_ = 	snop  }
0x7: {  	_ = 	snop  }
__scs_overlays_trampoline_lowered:
0x8: {  	[smem:$0x3FA7] =	sst s0  }
0x9: {  	[smem:$0x3FA8] =	sst s1  }
0xa: {  	[smem:$0x3FA9] =	sst s2  }
0xb: {  	[smem:$0x3FAA] =	sst s3  }
0xc: {  	[smem:$0x3FAB] =	sst s4  }
0xd: {  	[smem:$0x3FAC] =	sst s5  }
0xe: {  	[smem:$0x3FAD] =	sst s6  }
0xf: {  	[smem:$0x3FAE] =	sst s7  }
0x10: {  	[smem:$0x3FAF] =	sst s8  }
0x11: {  	[smem:$0x3FB0] =	sst s9;
	s0 =	simm.s32 @!p0 $0x0  }
0x12: {  	s1 =	sld [smem:$0x3F96];
	s0 =	simm.s32 @p0 $0x1  }
0x13: {  	[smem:$0x3FB1] =	sst s0;
	s0 =	simm.s32 @!p1 $0x0  }
0x14: {  	s2 =	sld [smem:$0x3F95];
	s0 =	simm.s32 @p1 $0x1  }
0x15: {  	[smem:$0x3FB2] =	sst s0;
	s0 =	simm.s32 @!p2 $0x0  }
0x16: {  	s3 =	sld [smem:$0x3FDB];
	s0 =	simm.s32 @p2 $0x1  }
0x17: {  	s4 =	simm.s32 $0x1BF5;
	[smem:$0x3FB4] =	sst s0  }
0x18: {  	s0 =	sld [smem:$0x3F97];
	_ =	swait.ge [sflag:s4], $0x0  }
0x19: {  	s7 =	sld [smem:$0x3F98]  }
0x1a: {  	s8 =	sadd.s32 $0xFFFFE003, lr  }
0x1b: {  	s9 =	sadd.s32 $0xFFFFFEF7, lr;
	s5 =	simm.s32 $0xFFFFFFFF;
	p2 =	slt.u32 s8, $0xFFFFF086  }
0x1c: {  	p1 =	slt.u32 s9, $0xF7A;
	s5 =	simm.s32 @!p2 $0x0  }
0x1d: {  	s5 =	simm.s32 @p1 $0x1;
	p0 =	seq.s32 s7, s2  }
0x1e: {  	s7 =	smul.u32 @!p0 $0xF7A, s2;
	p2 =	seq.s32 @!p0 s5, $0x0  }
0x1f: {  	s9 =	smul.u32 $0xF7A, s1;
	s8 =	simm.s32 @!p0 $0x1BF5;
	p2 =	por !p2, p0  }
0x20: {  	[sflag:s8] =	ssyncset.s32 @!p0 $0xFFFFF086;
	s6 =	sadd.s32 @!p0 s3, s7;
	s7 =	simm.s32 @!p0 $0x108  }
0x21: {  	s3 =	sadd.s32 s3, s9;
	s6 =	sadd.s32 @!p0 $0x88, s6;
	s7 =	simm.s32 @p2 $0x1082  }
0x22: {  	[simem:s7], [sflag:s8] =	dma.local @!p0 [hbm:s6], $0xF7A  }
0x23: {  	s9 =	sor.u32 $0xD0000000, s2;
	s6 =	simm.s32 $0x108;
	_ =	swait.ge @!p0 [sflag:s8], $0x0  }
0x24: {  	s3 =	sadd.s32 $0x88, s3;
	s6 =	simm.s32 @!p1 $0x1082;
	[sflag:s4] =	ssyncset.s32 $0xFFFFF086  }
0x25: {  	[simem:s6], [sflag:s4] =	dma.local [hbm:s3], $0xF7A  }
0x26: {  	[smem:$0x3F98] =	sst s1;
	(tag) =	ssettag s2;
	_ =	strace s9  }
0x27: {  	s1 =	sld [smem:$0x3FA8]  }
0x28: {  	s2 =	sld [smem:$0x3FA9]  }
0x29: {  	s4 =	sld [smem:$0x3FAB]  }
0x2a: {  	p0 =	seq.s32 s5, $0x0;
	s5 =	sld [smem:$0x3FAC]  }
0x2b: {  	s6 =	sld [smem:$0x3FAD]  }
0x2c: {  	s7 =	sld [smem:$0x3FAE]  }
0x2d: {  	s3 =	simm.s32 $0x108;
	s8 =	sld [smem:$0x3FAF]  }
0x2e: {  	s3 =	simm.s32 @!p0 $0x1082;
	s9 =	sld [smem:$0x3FB0]  }
0x2f: {  	lr =	sadd.s32 s0, s3;
	s0 =	sld [smem:$0x3FA7]  }
0x30: {  	s3 =	sld [smem:$0x3FAA]  }
0x31: {  	[smem:$0x3FB3] =	sst s10  }
0x32: {  	s10 =	sld [smem:$0x3FB1];
	_ =	sdelay $0x3  }
0x33: {  	p0 =	seq.s32 s10, $0x1;
	s10 =	sld [smem:$0x3FB3];
	_ =	sdelay $0x3  }
0x34: {  	[smem:$0x3FB3] =	sst s10  }
0x35: {  	s10 =	sld [smem:$0x3FB2];
	_ =	sdelay $0x3  }
0x36: {  	p1 =	seq.s32 s10, $0x1;
	s10 =	sld [smem:$0x3FB3];
	_ =	sdelay $0x3  }
0x37: {  	[smem:$0x3FB3] =	sst s10  }
0x38: {  	s10 =	sld [smem:$0x3FB4]  }
0x39: {  	_ = 	snop;
	(pc) =	sbr.ind lr, $3  }
0x3a: {  	_ = 	snop  }
0x3b: {  	_ = 	snop  }
0x3c: {  	p2 =	seq.s32 s10, $0x1;
	s10 =	sld [smem:$0x3FB3]  }
0x3d: {  	_ =	shalt  }
0x3e: {  	_ =	shalt  }
0x3f: {  	_ =	shalt  }
0x40: {  	_ =	shalt  }
0x41: {  	_ =	shalt  }
0x42: {  	_ =	shalt  }
0x43: {  	_ =	shalt  }
0x44: {  	_ =	shalt  }
0x45: {  	_ =	shalt  }
0x46: {  	_ =	shalt  }
0x47: {  	_ =	shalt  }
0x48: {  	_ =	shalt  }
0x49: {  	_ =	shalt  }
0x4a: {  	_ =	shalt  }
0x4b: {  	_ =	shalt  }
0x4c: {  	_ =	shalt  }
0x4d: {  	_ =	shalt  }
0x4e: {  	_ =	shalt  }
0x4f: {  	_ =	shalt  }
0x50: {  	_ =	shalt  }
0x51: {  	_ =	shalt  }
0x52: {  	_ =	shalt  }
0x53: {  	_ =	shalt  }
0x54: {  	_ =	shalt  }
0x55: {  	_ =	shalt  }
0x56: {  	_ =	shalt  }
0x57: {  	_ =	shalt  }
0x58: {  	_ =	shalt  }
0x59: {  	_ =	shalt  }
0x5a: {  	_ =	shalt  }
0x5b: {  	_ =	shalt  }
0x5c: {  	_ =	shalt  }
0x5d: {  	_ =	shalt  }
0x5e: {  	_ =	shalt  }
0x5f: {  	_ =	shalt  }
0x60: {  	_ =	shalt  }
0x61: {  	_ =	shalt  }
0x62: {  	_ =	shalt  }
0x63: {  	_ =	shalt  }
0x64: {  	_ =	shalt  }
0x65: {  	_ =	shalt  }
0x66: {  	_ =	shalt  }
0x67: {  	_ =	shalt  }
0x68: {  	_ =	shalt  }
0x69: {  	_ =	shalt  }
0x6a: {  	_ =	shalt  }
0x6b: {  	_ =	shalt  }
0x6c: {  	_ =	shalt  }
0x6d: {  	_ =	shalt  }
0x6e: {  	_ =	shalt  }
0x6f: {  	_ =	shalt  }
0x70: {  	_ =	shalt  }
0x71: {  	_ =	shalt  }
0x72: {  	_ =	shalt  }
0x73: {  	_ =	shalt  }
0x74: {  	_ =	shalt  }
0x75: {  	_ =	shalt  }
0x76: {  	_ =	shalt  }
0x77: {  	_ =	shalt  }
0x78: {  	_ =	shalt  }
0x79: {  	_ =	shalt  }
0x7a: {  	_ =	shalt  }
0x7b: {  	_ =	shalt  }
0x7c: {  	_ =	shalt  }
0x7d: {  	_ =	shalt  }
0x7e: {  	_ =	shalt  }
0x7f: {  	_ =	shalt  }
0x80: {  	_ =	shalt  }
0x81: {  	_ =	shalt  }
0x82: {  	_ =	shalt  }
0x83: {  	_ =	shalt  }
0x84: {  	_ =	shalt  }
0x85: {  	_ =	shalt  }
0x86: {  	_ =	shalt  }
0x87: {  	_ =	shalt  }
.Lfunc_end0:
.L_simem_size_0:
called_computation_lowered:
.L_overlay_start_0:
0x88: {  	s2 =	sld [smem:$0x3FD9]  }
0x89: {  	s3 =	sld [smem:$0x3FFE];
	_ =	sdelay $0x1  }
0x8a: {  	s1 =	srdreg.scid  }
0x8b: {  	s0 =	sand.u32 $0x1, s1  }
0x8c: {  	s14 =	sshll.u32 s0, $0xA;
	s2 =	sadd.s32 s3, s2  }
0x8d: {  	s2 =	sadd.s32 s2, s14  }
0x8e: {  	[smem:$0x3FBF] =	sst s2  }
0x8f: {  	_ = 	snop  }
0x90: {  	s2 =	sld [smem:$0x3FD0];
	_ =	sdelay $0x2  }
0x91: {  	s15 =	simm.s32 $0xA;
	s4 =	simm.s32 $0x10  }
0x92: {  	[smem:s4], [sflag:s15] =	dma.local [hbm:s2], $0x1  }
0x93: {  	_ =	swait.eq [sflag:s15], $0x1  }
0x94: {  	[sflag:s15] =	ssyncset.done $0x0  }
0x95: {  	[sflag:s15] =	ssyncadd.s32 $0xFFFFFFFF  }
0x96: {  	s16 =	sld [smem:$0x11];
	(tm) =	ssettm $0x1  }
0x97: {  	s17 =	sld [smem:$0x3FFB];
	_ =	sdelay $0x3  }
0x98: {  	_ =	strace s17  }
0x99: {  	s3 =	sld [smem:$0x3FFC];
	_ =	sdelay $0x3  }
0x9a: {  	_ =	strace s3  }
0x9b: {  	s3 =	sld [smem:$0x3FFD];
	_ =	sdelay $0x3  }
0x9c: {  	_ =	strace s3  }
0x9d: {  	_ =	strace $0x8FFFFFFF  }
0x9e: {  	s18 =	sld [smem:$0x3FDB];
	_ =	sdelay $0x1  }
0x9f: {  	s19 =	simm.s32 $_scs_section_size  }
0xa0: {  	s5 =	simm.s32 $_size__tile_overlayer_lowered;
	s6 =	simm.s32 $_tile_overlayer_lowered  }
0xa1: {  	s22 =	simm.s32 $0x1BFF;
	s21 =	sshll.u32 s6, $0x1;
	s3 =	sadd.s32 s19, s18  }
0xa2: {  	s7 =	simm.s32 $0x0;
	s20 =	sshll.u32 s5, $0x1;
	s5 =	sadd.s32 s21, s3  }
0xa3: {  	[timem:s7], [sflag:s22] =	dma.local [hbm:s5], s20  }
0xa4: {  	_ =	swait.ge [sflag:s22], s20  }
0xa5: {  	s4 =	ssub.s32 $0x0, s20;
	[sflag:s22] =	ssyncset.done $0x0  }
0xa6: {  	[sflag:s22] =	ssyncadd.s32 s4;
	_ =	sdelay $0x1  }
0xa7: {  	s23 =	simm.s32 $0x1B8B  }
0xa8: {  	_ =	swait.ge [sflag:s23], $0x1  }
0xa9: {  	[sflag:s23] =	ssyncset.done $0x0  }
0xaa: {  	s25 =	simm.s32 $0x1B8E;
	s24 =	sld [smem:$0x3FFE];
	[sflag:s23] =	ssyncadd.s32 $0xFFFFFFFF  }
0xab: {  	s26 =	simm.s32 $execute0_lowered;
	[smem:$0x3FD2] =	sst s25  }
0xac: {  	s5 =	sshll.u32 s26, $0x1;
	_ =	strace $0x80000046;
	[dreg:$0x1] =	wrdreg $0xFFFFFFFF  }
0xad: {  	s28 =	simm.s32 $_size_execute0_lowered;
	s3 =	sadd.s32 s3, s5;
	[dreg:$0x0] =	wrdreg $0x0  }
0xae: {  	s5 =	sshll.u32 s28, $0x1;
	[dreg:$0x2] =	wrdreg s3  }
0xaf: {  	[dreg:$0x3] =	wrdreg s5  }
0xb0: {  	[dreg:$0x4] =	wrdreg $0xC0  }
0xb1: {  	_ =	task [dreg:s7], $0x5FFFF  }
0xb2: {  	[dreg:$0x1] =	wrdreg $0xFFFFFFFF  }
0xb3: {  	[dreg:$0x0] =	wrdreg $0x60  }
0xb4: {  	[dreg:$0x2] =	wrdreg s24  }
0xb5: {  	[dreg:$0x3] =	wrdreg s16  }
0xb6: {  	[dreg:$0x4] =	wrdreg $0x0  }
0xb7: {  	[dreg:$0x5] =	wrdreg $0x9  }
0xb8: {  	_ =	task.clear_ibuf [dreg:s7], $0x6FFFF;
	_ =	strace $0x90000046  }
0xb9: {  	s29 =	simm.s32 $0x9;
	_ =	strace $0x80000048  }
0xba: {  	_ =	swait.ge [sflag:s29], $0x1  }
0xbb: {  	[sflag:s29] =	ssyncadd.s32 $0xFFFFFFFF  }
0xbc: {  	_ =	strace $0x90000048  }
0xbd: {  	_ =	sfence  }
0xbe: {  	s30 =	sld [smem:$0x0];
	_ =	sdelay $0x2  }
0xbf: {  	s31 =	sshll.u32 s1, $0xD;
	s1 =	sshrl.u32 s1, $0x2  }
0xc0: {  	s3 =	sand.u32 $0x4000, s31;
	s1 =	sadd.s32 s1, s30  }
0xc1: {  	s0 =	sor.u32 s3, s0;
	s1 =	sshll.u32 s1, $0x11  }
0xc2: {  	s0 =	sor.u32 s1, s0  }
0xc3: {  	s0 =	sadd.s32 $0x8F2B, s0  }
0xc4: {  	[sflag:s0] =	ssyncadd.remote.s32 $0x1  }
0xc5: {  	_ =	sfence.sel $0xFFFF  }
0xc6: {  	[dreg:$0x0] =	wrdreg $0xFFFFFFFF;
	(pc) =	sbr.abs _section_cstart, $3  }
0xc7: {  	[dreg:$0x1] =	wrdreg $0xFFFFFFFF  }
0xc8: {  	_ =	task.clear_ibuf [dreg:s7], $0x2FFFF;
	_ =	strace $0x9FFFFFFF  }
0xc9: {  	(tm) =	ssettm $0x7FFFFFFF  }
tec
execute0_lowered:
.L_overlay_start_1:
0x0: {  	(tag) =	ssettag $0x1  }
0x1: {  	s4 =	rddreg [dreg:$0x0]  }
0x2: {  	s0 =	srdreg.scid;
	s1 =	rddreg [dreg:$0x1]  }
0x3: {  	s2 =	rddreg [dreg:$0x2];
	s8 =	stileid.u32  }
0x4: {  	s3 =	simm.s32 $0x0;
	s10 =	simm.s32 $0x1;
	s5 =	sand.u32 $0x1, s0  }
0x5: {  	s11 =	simm.s32 $0x2A80;
	s12 =	simm.s32 $0x80;
	s6 =	sshll.u32 s5, $0x4  }
0x6: {  	s13 =	simm.s32 $0x0;
	s0 =	rddreg [dreg:$0x3];
	s7 =	sor.u32 s8, s6  }
0x7: {  	[smem:$0x7FF] =	sst s3;
	p0 =	sne.s32 s8, $0x0;
	s7 =	smul.u32 $0x500, s7  }
0x8: {  	_ =	strace $0x80000047;
	s5 =	ssub.s32 $0x2, s5;
	s6 =	sadd.s32 s6, s4  }
0x9: {  	s31 =	sshrl.u32 s5, $0x1;
	s8 =	sshrl.u32 @!p0 s2, $0x3;
	s7 =	sadd.s32 s7, s4  }
0xa: {  	s9 =	ssub.s32 s5, s31;
	s6 =	sadd.s32 $0x2A600, s6;
	s4 =	sadd.s32 $0xC800, s7  }
0xb: {  	s5 =	sadd.s32 $0x20600, s7;
	s7 =	smax.u32 s9, $0x1;
	s9 =	simm.s32 $0x280  }
.LBB2_1:
0xc: {  	s14 =	simm.s32 @!p0 $0x1C01  }
0xd: {  	[spmem:s8], [sflag:s14] =	dma.local @!p0 [hbm:s1], $0x500  }
0xe: {  	s14 =	simm.s32 @!p0 $0x1  }
0xf: {  	_ =	swait.ge @!p0 [sflag:s14], $0x500  }
0x10: {  	[sflag:s14] =	ssyncset.done @!p0 $0x0  }
0x11: {  	[sflag:s14] =	ssyncadd.s32 @!p0 $0xFFFFFB00  }
0x12: {  	[bflag:$0x0] =	sbarrier.arrive $0xFFFF  }
0x13: {  	[tilespmem:s9], [sflag:$0x1] =	stream.linear.gather [hbm4b:s4+s3], $0x2780, $0x38;
	[tilespmem:$0x5280] =	vst v63  }
0x14: {  	_ =	swait.ge [sflag:s10], $0x2780  }
0x15: {  	[sflag:s10] =	ssyncset.done $0x0  }
0x16: {  	[sflag:s10] =	ssyncadd.s32 $0xFFFFD880  }
0x17: {  	[tilespmem:s11], [sflag:$0x1] =	stream.linear.gather [hbm4b:s5+s3], $0x2780, $0x38;
	[tilespmem:$0x5280] =	vst v63  }
0x18: {  	_ =	swait.ge [sflag:s10], $0x2780  }
0x19: {  	[sflag:s10] =	ssyncset.done $0x0  }
0x1a: {  	s31 =	simm.s32 $0x2A80;
	s15 =	simm.s32 $0x280;
	[sflag:s10] =	ssyncadd.s32 $0xFFFFD880  }
0x1b: {  	[spmem:s2] =	stream.indirect.scatter.add.f32 [tilespmem:s31], [sflag:$0x1], $0x1, s15, s12, $0xb8;
	[tilespmem:$0x5280] =	vst v63  }
0x1c: {  	s14 =	simm.s32 $0x200;
	_ =	swait.ge [sflag:s10], $0x80  }
.LBB2_2:
0x1d: {  	s15 =	sshra.s32 s14, $0x2  }
0x1e: {  	[sflag:s10] =	ssyncset.done $0x0;
	p1 =	sne.s32 s14, $0x9C00;
	s16 =	sadd.s32 $0x2A80, s15  }
.Ltmp0:
0x1f: {  	s15 =	sadd.s32 $0x280, s15;
	[sflag:s10] =	ssyncadd.s32 $0xFFFFFF80;
	(pc) =	sbr.rel @p1 .LBB2_2-.Ltmp0, $3  }
0x20: {  	[spmem:s2] =	stream.indirect.scatter.add.f32 [tilespmem:s16], [sflag:$0x1], $0x1, s15, s12, $0xb8;
	[tilespmem:$0x5280] =	vst v63  }
0x21: {  	s14 =	sadd.s32 $0x200, s14;
	_ =	sdelay $0x1  }
0x22: {  	_ =	swait.ge [sflag:s10], $0x80  }
0x23: {  	[sflag:s10] =	ssyncset.done $0x0  }
0x24: {  	s14 =	simm.s32 @!p0 $0x1;
	s15 =	simm.s32 @!p0 $0x20;
	s13 =	sadd.s32 $0x1, s13  }
0x25: {  	s16 =	simm.s32 @!p0 $0x10;
	[sflag:s10] =	ssyncadd.s32 $0xFFFFFF80;
	p1 =	sne.s32 s13, s7  }
.Ltmp1:
0x26: {  	s17 =	simm.s32 @!p0 $0x1C01;
	[bflag:$0x0] =	sbarrier.arrive $0xFFFF;
	(pc) =	sbr.rel @p1 .LBB2_1-.Ltmp1, $4  }
0x27: {  	[hbm:s6@s15], [sflag:s17] =	dma.strided @!p0 [spmem:s8@s16], $0x500, s14, $0x10   }
0x28: {  	_ =	swait.ge @!p0 [sflag:s14], $0x500  }
0x29: {  	[sflag:s14] =	ssyncset.done @!p0 $0x0  }
0x2a: {  	[sflag:s14] =	ssyncadd.s32 @!p0 $0xFFFFFB00  }
0x2b: {  	_ =	sfence.sel $0x180000  }
0x2c: {  	[bflag:$0x0] =	sbarrier.arrive $0xFFFF  }
0x2d: {  	_ =	strace $0x90000047  }
0x2e: {  	s0 =	sadd.s32 @!p0 $0x100000, s0;
	[bflag:$0x2] =	sbarrier.arrive $0xFFFF  }
0x2f: {  	[sflag:s0] =	ssyncadd.tile.s32 @!p0 $0x1;
	_ =	shalt  }
.Lfunc_end2:
_tile_overlayer_lowered:
.L_overlay_start_2:
0x30: {  	(tag) =	ssettag $0x2  }
0x31: {  	s0 =	rddreg [dreg:$0x0];
	s2 =	stileid.u32  }
0x32: {  	s1 =	rddreg [dreg:$0x1];
	p0 =	sne.s32 s2, $0x0  }
0x33: {  	s3 =	rddreg [dreg:$0x2];
	[bflag:$0x3] =	sbarrier.arrive $0xFFFF;
	s2 =	simm.s32 @!p0 $0x1C01  }
0x34: {  	[timem:s3], [sflag:s2] =	dma.local @!p0 [hbm:s0], s1  }
0x35: {  	s0 =	simm.s32 @!p0 $0x1  }
0x36: {  	_ =	swait.ge @!p0 [sflag:s0], s1  }
0x37: {  	s1 =	ssub.s32 @!p0 $0x0, s1;
	[sflag:s0] =	ssyncset.done @!p0 $0x0  }
0x38: {  	[sflag:s0] =	ssyncadd.s32 @!p0 s1  }
0x39: {  	[bflag:$0x3] =	sbarrier.arrive $0xFFFF  }
0x3a: {  	_ =	shalt  }

</sc_bundles>
